<compile_context>
chip_gen: v7x
topology: tpu7x:2x2x1
jax: 0.10.2.dev20260603
libtpu: 0.0.44.dev20260713+nightly
codegen_flags: <defaults>
</compile_context>

<pallas_src>
import functools

import jax
import jax.numpy as jnp
from jax import lax
from jax.experimental import pallas as pl
from jax.experimental.pallas import tpu as pltpu
from jax.experimental.pallas import tpu_sc as plsc

N = 10000
E = 160000
D = 256

NC = 2
NS = 16
DH = D // NC
CHUNK = 128
GSZ = 2
GSZD = 8
NCHUNK_T = 80
NCHUNKP = NS * NCHUNK_T
EPAD = NCHUNKP * CHUNK
NIT = NCHUNK_T // (2 * GSZ)
NIT_DEG = (NCHUNK_T // 2 - GSZD) // (2 * GSZD)
PAD = 48
NPR = N + PAD
ZB = 8
WB = 40


def _sc_agg_body(x2_hbm, ei_hbm, zrow_hbm, ones_hbm,
                 agg0_out, agg1_out, deg_out,
                 src4_a, dst4_a, src4_b, dst4_b, gidx4,
                 r0, r1, agg_sh,
                 isem_a, isem_b, gsem0, gsem1,
                 ssem0, ssem1):
    cid = lax.axis_index("c")
    sid = lax.axis_index("s")
    rows = (r0, r1)
    gsems = (gsem0, gsem1)
    ssems = (ssem0, ssem1)
    base = sid * NCHUNK_T

    @pl.loop(0, (NPR // ZB + NS - 1) // NS)
    def _(it):
        z = it * NS + sid

        @pl.when(z < NPR // ZB)
        def _():
            pltpu.sync_copy(zrow_hbm, agg_sh.at[pl.ds(z * ZB, ZB)])

    plsc.subcore_barrier()

    def fetch_idx(off, src4, dst4, isem):
        pltpu.async_copy(ei_hbm.at[pl.ds(off, GSZ)], src4, isem)
        pltpu.async_copy(ei_hbm.at[pl.ds(NCHUNKP + off, GSZ)], dst4, isem)

    def wait_idx(src4, dst4, isem):
        pltpu.make_async_copy(ei_hbm.at[pl.ds(0, GSZ)], src4, isem).wait()
        pltpu.make_async_copy(ei_hbm.at[pl.ds(0, GSZ)], dst4, isem).wait()

    def compute_gidx(src4):
        for j in range(GSZ):
            @pl.loop(0, CHUNK, step=16)
            def _(i):
                s = src4[j, pl.ds(i, 16)]
                gidx4[j, pl.ds(i, 16)] = s * 2 + cid

    def half_group(dst4, prev_dst4, first):
        for j in range(GSZ):
            if first is None:
                pltpu.make_async_copy(
                    rows[j], agg_sh.at[prev_dst4.at[j]], ssems[j]).wait()
            else:
                @pl.when(first > 0)
                def _():
                    pltpu.make_async_copy(
                        rows[j], agg_sh.at[prev_dst4.at[j]],
                        ssems[j]).wait()

            pltpu.async_copy(x2_hbm.at[gidx4.at[j]], rows[j], gsems[j])

    def scatters(dst4):
        for j in range(GSZ):
            pltpu.make_async_copy(x2_hbm.at[gidx4.at[j]], rows[j],
                                  gsems[j]).wait()
            pltpu.async_copy(rows[j], agg_sh.at[dst4.at[j]], ssems[j],
                             add=True)

    fetch_idx(base, src4_a, dst4_a, isem_a)

    @pl.loop(0, NIT)
    def _(t):
        off_a = base + t * (2 * GSZ)
        wait_idx(src4_a, dst4_a, isem_a)
        compute_gidx(src4_a)
        half_group(dst4_a, dst4_b, t)
        fetch_idx(off_a + GSZ, src4_b, dst4_b, isem_b)
        scatters(dst4_a)
        wait_idx(src4_b, dst4_b, isem_b)
        compute_gidx(src4_b)
        half_group(dst4_b, dst4_a, None)

        @pl.when(t + 1 < NIT)
        def _():
            fetch_idx(off_a + 2 * GSZ, src4_a, dst4_a, isem_a)

        scatters(dst4_b)

    for j in range(GSZ):
        pltpu.make_async_copy(rows[j], agg_sh.at[dst4_b.at[j]],
                              ssems[j]).wait()

    plsc.subcore_barrier()

    @pl.loop(0, (N // WB + NS - 1) // NS)
    def _(it):
        r = it * NS + sid

        @pl.when(r < N // WB)
        def _():
            row = r * WB

            @pl.when(cid == 0)
            def _():
                pltpu.sync_copy(agg_sh.at[pl.ds(row, WB)],
                                agg0_out.at[pl.ds(row, WB)])

            @pl.when(cid == 1)
            def _():
                pltpu.sync_copy(agg_sh.at[pl.ds(row, WB)],
                                agg1_out.at[pl.ds(row, WB)])

    plsc.subcore_barrier()

    @pl.loop(0, (NPR // ZB + NS - 1) // NS)
    def _(it):
        z = it * NS + sid

        @pl.when(z < NPR // ZB)
        def _():
            pltpu.sync_copy(zrow_hbm, agg_sh.at[pl.ds(z * ZB, ZB)])

    pltpu.sync_copy(ones_hbm, r0)
    plsc.subcore_barrier()

    dbase = NCHUNKP + cid * (NCHUNKP // 2) + sid * (NCHUNK_T // 2)
    NITD = NCHUNK_T // 2 // (2 * GSZ)

    def wait_didx(dst4, isem):
        pltpu.make_async_copy(ei_hbm.at[pl.ds(0, GSZ)], dst4, isem).wait()

    def deg_scatters(dst4, prev_dst4, first):
        for j in range(GSZ):
            if first is None:
                pltpu.make_async_copy(
                    r0, agg_sh.at[prev_dst4.at[j]], ssems[j]).wait()
            else:
                @pl.when(first > 0)
                def _():
                    pltpu.make_async_copy(
                        r0, agg_sh.at[prev_dst4.at[j]], ssems[j]).wait()

        for j in range(GSZ):
            pltpu.async_copy(r0, agg_sh.at[dst4.at[j]], ssems[j], add=True)

    pltpu.async_copy(ei_hbm.at[pl.ds(dbase, GSZ)], dst4_a, isem_a)

    @pl.loop(0, NITD)
    def _(t):
        off = dbase + t * (2 * GSZ)
        wait_didx(dst4_a, isem_a)
        deg_scatters(dst4_a, dst4_b, t)
        pltpu.async_copy(ei_hbm.at[pl.ds(off + GSZ, GSZ)], dst4_b, isem_b)
        wait_didx(dst4_b, isem_b)
        deg_scatters(dst4_b, dst4_a, None)

        @pl.when(t + 1 < NITD)
        def _():
            pltpu.async_copy(ei_hbm.at[pl.ds(off + 2 * GSZ, GSZ)],
                             dst4_a, isem_a)

    for j in range(GSZ):
        pltpu.make_async_copy(r0, agg_sh.at[dst4_b.at[j]], ssems[j]).wait()

    plsc.subcore_barrier()

    @pl.loop(0, (N // WB + NS - 1) // NS)
    def _(it):
        r = it * NS + sid

        @pl.when(r < N // WB)
        def _():
            row = r * WB
            pltpu.sync_copy(agg_sh.at[pl.ds(row, WB)],
                            deg_out.at[cid, pl.ds(row, WB)])


@functools.cache
def _sc_fns():
    mesh = plsc.VectorSubcoreMesh(core_axis_name="c", subcore_axis_name="s")
    agg_fn = pl.kernel(
        _sc_agg_body,
        out_type=[
            jax.ShapeDtypeStruct((N, DH), jnp.float32),
            jax.ShapeDtypeStruct((N, DH), jnp.float32),
            jax.ShapeDtypeStruct((NC, N, DH), jnp.float32),
        ],
        mesh=mesh,
        scratch_types=[
            pltpu.VMEM((GSZ, CHUNK), jnp.int32),
            pltpu.VMEM((GSZ, CHUNK), jnp.int32),
            pltpu.VMEM((GSZ, CHUNK), jnp.int32),
            pltpu.VMEM((GSZ, CHUNK), jnp.int32),
            pltpu.VMEM((GSZ, CHUNK), jnp.int32),
            pltpu.VMEM((CHUNK, DH), jnp.float32),
            pltpu.VMEM((CHUNK, DH), jnp.float32),
            pltpu.VMEM_SHARED((NPR, DH), jnp.float32),
            pltpu.SemaphoreType.DMA,
            pltpu.SemaphoreType.DMA,
            pltpu.SemaphoreType.DMA,
            pltpu.SemaphoreType.DMA,
            pltpu.SemaphoreType.DMA,
            pltpu.SemaphoreType.DMA,
        ],
    )
    return agg_fn


def _sc_segment_sum(x, edge_index):
    agg_fn = _sc_fns()
    x2 = x.reshape(N * NC, DH)
    npt = (EPAD - E) // NS
    pi = jnp.arange(NS * npt, dtype=jnp.int32)
    pad_src = (pi % N).reshape(NS, npt)
    pad_dst = (N + pi % PAD).reshape(NS, npt)
    src_p = jnp.concatenate([edge_index[0].reshape(NS, E // NS), pad_src],
                            axis=1).reshape(-1)
    dst_p = jnp.concatenate([edge_index[1].reshape(NS, E // NS), pad_dst],
                            axis=1).reshape(-1)
    ei2 = jnp.concatenate([src_p, dst_p]).reshape(2 * NCHUNKP, CHUNK)
    zrow = jnp.zeros((ZB, DH), jnp.float32)
    ones = jnp.ones((CHUNK, DH), jnp.float32)
    agg0, agg1, deg = agg_fn(x2, ei2, zrow, ones)
    return agg0, agg1, deg


NB = 1000
GRID = N // NB


def _tc1_body(agg0_ref, agg1_ref, dp0_ref, dp1_ref, x_ref, w_ref, b_ref,
              hpre_ref, s1_ref, q1_ref):
    i = pl.program_id(0)
    deg = dp0_ref[0][:, 0:1] + dp1_ref[0][:, 0:1]
    deg = jnp.maximum(deg, 1.0)
    agg = jnp.concatenate([agg0_ref[...], agg1_ref[...]], axis=1)
    mean = agg / deg
    h = jnp.maximum(
        jnp.dot(mean, w_ref[...], preferred_element_type=jnp.float32)
        + b_ref[...], 0.0) + x_ref[...]
    hpre_ref[...] = h

    @pl.when(i == 0)
    def _():
        s1_ref[...] = jnp.zeros_like(s1_ref)
        q1_ref[...] = jnp.zeros_like(q1_ref)

    s1_ref[...] += jnp.sum(h, axis=0, keepdims=True)
    q1_ref[...] += jnp.sum(h * h, axis=0, keepdims=True)


def _tc2_body(hpre_ref, s1_ref, q1_ref, g1_ref, be1_ref,
              w1_ref, b1_ref, w2_ref, b2_ref, h2_ref, s2_ref, q2_ref):
    i = pl.program_id(0)
    m = s1_ref[...] / N
    var = q1_ref[...] / N - m * m
    rstd = lax.rsqrt(var + 1e-5)
    h = (hpre_ref[...] - m) * rstd * g1_ref[...] + be1_ref[...]
    t = jnp.maximum(
        jnp.dot(h, w1_ref[...], preferred_element_type=jnp.float32)
        + b1_ref[...], 0.0)
    h2 = (jnp.dot(t, w2_ref[...], preferred_element_type=jnp.float32)
          + b2_ref[...]) + h
    h2_ref[...] = h2

    @pl.when(i == 0)
    def _():
        s2_ref[...] = jnp.zeros_like(s2_ref)
        q2_ref[...] = jnp.zeros_like(q2_ref)

    s2_ref[...] += jnp.sum(h2, axis=0, keepdims=True)
    q2_ref[...] += jnp.sum(h2 * h2, axis=0, keepdims=True)


def _tc3_body(h2_ref, s2_ref, q2_ref, g2_ref, be2_ref, out_ref):
    m = s2_ref[...] / N
    var = q2_ref[...] / N - m * m
    rstd = lax.rsqrt(var + 1e-5)
    out_ref[...] = (h2_ref[...] - m) * rstd * g2_ref[...] + be2_ref[...]


def _row_spec(nb, d):
    return pl.BlockSpec((nb, d), lambda i: (i, 0))


def _full_spec(r, c):
    return pl.BlockSpec((r, c), lambda i: (0, 0))


def kernel(x, edge_index, W_gnn, b_gnn, gamma1, beta1, W1, b1, W2, b2,
           gamma2, beta2):
    agg0, agg1, deg = _sc_segment_sum(x, edge_index)

    hpre, s1, q1 = pl.pallas_call(
        _tc1_body,
        grid=(GRID,),
        in_specs=[
            _row_spec(NB, DH),
            _row_spec(NB, DH),
            pl.BlockSpec((1, NB, DH), lambda i: (0, i, 0)),
            pl.BlockSpec((1, NB, DH), lambda i: (1, i, 0)),
            _row_spec(NB, D),
            _full_spec(D, D),
            _full_spec(1, D),
        ],
        out_specs=[
            _row_spec(NB, D),
            _full_spec(1, D),
            _full_spec(1, D),
        ],
        out_shape=[
            jax.ShapeDtypeStruct((N, D), jnp.float32),
            jax.ShapeDtypeStruct((1, D), jnp.float32),
            jax.ShapeDtypeStruct((1, D), jnp.float32),
        ],
    )(agg0, agg1, deg, deg, x, W_gnn, b_gnn.reshape(1, D))

    h2, s2, q2 = pl.pallas_call(
        _tc2_body,
        grid=(GRID,),
        in_specs=[
            _row_spec(NB, D),
            _full_spec(1, D),
            _full_spec(1, D),
            _full_spec(1, D),
            _full_spec(1, D),
            _full_spec(D, D),
            _full_spec(1, D),
            _full_spec(D, D),
            _full_spec(1, D),
        ],
        out_specs=[
            _row_spec(NB, D),
            _full_spec(1, D),
            _full_spec(1, D),
        ],
        out_shape=[
            jax.ShapeDtypeStruct((N, D), jnp.float32),
            jax.ShapeDtypeStruct((1, D), jnp.float32),
            jax.ShapeDtypeStruct((1, D), jnp.float32),
        ],
    )(hpre, s1, q1, gamma1.reshape(1, D), beta1.reshape(1, D),
      W1, b1.reshape(1, D), W2, b2.reshape(1, D))

    out = pl.pallas_call(
        _tc3_body,
        grid=(GRID,),
        in_specs=[
            _row_spec(NB, D),
            _full_spec(1, D),
            _full_spec(1, D),
            _full_spec(1, D),
            _full_spec(1, D),
        ],
        out_specs=_row_spec(NB, D),
        out_shape=jax.ShapeDtypeStruct((N, D), jnp.float32),
    )(h2, s2, q2, gamma2.reshape(1, D), beta2.reshape(1, D))

    return out

# --- scband reference (transcript-rebuilt; emitter-appended) ---
"""Pipeline reference for scband-gpslayer-19567871000722 (READ-ONLY COPY).

The authoritative reference and input builder live on the scoring server;
editing this copy changes nothing except your own understanding.
"""

import jax, jax.numpy as jnp
import numpy as np

N = 10000
E = 160000
D = 256


def setup_inputs(seed: int = 0) -> dict:
    key = jax.random.key(seed)
    ks = jax.random.split(key, 12)
    s = 1.0 / np.sqrt(D)
    x = jax.random.normal(ks[0], (N, D), dtype=jnp.float32)
    edge_index = jax.random.randint(ks[1], (2, E), 0, N, dtype=jnp.int32)
    W_gnn = jax.random.normal(ks[2], (D, D), dtype=jnp.float32) * s
    b_gnn = jnp.zeros((D,), dtype=jnp.float32)
    gamma1 = jnp.ones((D,), dtype=jnp.float32)
    beta1 = jnp.zeros((D,), dtype=jnp.float32)
    W1 = jax.random.normal(ks[3], (D, D), dtype=jnp.float32) * s
    b1 = jnp.zeros((D,), dtype=jnp.float32)
    W2 = jax.random.normal(ks[4], (D, D), dtype=jnp.float32) * s
    b2 = jnp.zeros((D,), dtype=jnp.float32)
    gamma2 = jnp.ones((D,), dtype=jnp.float32)
    beta2 = jnp.zeros((D,), dtype=jnp.float32)
    return {"x": x, "edge_index": edge_index, "W_gnn": W_gnn, "b_gnn": b_gnn,
            "gamma1": gamma1, "beta1": beta1, "W1": W1, "b1": b1,
            "W2": W2, "b2": b2, "gamma2": gamma2, "beta2": beta2}


def _batch_norm(v, gamma, beta, eps=1e-5):
    m = v.mean(axis=0)
    var = v.var(axis=0)
    return (v - m) / jnp.sqrt(var + eps) * gamma + beta


def _gnn_layer(x, edge_index, W_gnn, b_gnn):
    # mean-aggregation graph conv: gather src feats, scatter-add to dst, normalize by degree
    src = edge_index[0]
    dst = edge_index[1]
    deg = jax.ops.segment_sum(jnp.ones((E,), dtype=jnp.float32), dst, num_segments=N)
    agg = jax.ops.segment_sum(x[src], dst, num_segments=N)
    agg = agg / jnp.maximum(deg, 1.0)[:, None]
    return jax.nn.relu(agg @ W_gnn + b_gnn)


def reference(x, edge_index, W_gnn, b_gnn, gamma1, beta1, W1, b1, W2, b2, gamma2, beta2):
    residual_x = x
    h = _gnn_layer(x, edge_index, W_gnn, b_gnn) + residual_x
    h = _batch_norm(h, gamma1, beta1)
    mlp_out = jax.nn.relu(h @ W1 + b1) @ W2 + b2  # dropout p=0.0 is identity
    h2 = mlp_out + h
    return _batch_norm(h2, gamma2, beta2)

if __name__ == "__main__":
    import jax
    _d = setup_inputs()
    print(jax.jit(kernel)(*tuple(_d.values())))

</pallas_src>

<mosaic_0001>
#map = affine_map<(d0, d1) -> (0, 0)>
#map1 = affine_map<(d0, d1) -> (0, 0, 0)>
module attributes {stable_mosaic.version = 14 : i64} {
  func.func @_sc_agg_body(%arg0: i32, %arg1: i32, %arg2: memref<20000x128xf32, #tpu.memory_space<hbm>>, %arg3: memref<2560x128xi32, #tpu.memory_space<hbm>>, %arg4: memref<8x128xf32, #tpu.memory_space<hbm>>, %arg5: memref<128x128xf32, #tpu.memory_space<hbm>>, %arg6: memref<10000x128xf32, #tpu.memory_space<hbm>>, %arg7: memref<10000x128xf32, #tpu.memory_space<hbm>>, %arg8: memref<2x10000x128xf32, #tpu.memory_space<hbm>>, %arg9: memref<2x128xi32, #tpu.memory_space<vmem>>, %arg10: memref<2x128xi32, #tpu.memory_space<vmem>>, %arg11: memref<2x128xi32, #tpu.memory_space<vmem>>, %arg12: memref<2x128xi32, #tpu.memory_space<vmem>>, %arg13: memref<2x128xi32, #tpu.memory_space<vmem>>, %arg14: memref<128x128xf32, #tpu.memory_space<vmem>>, %arg15: memref<128x128xf32, #tpu.memory_space<vmem>>, %arg16: memref<10048x128xf32, #tpu.memory_space<vmem_shared>>, %arg17: memref<!tpu.dma_semaphore, #tpu.memory_space<semaphore_mem>>, %arg18: memref<!tpu.dma_semaphore, #tpu.memory_space<semaphore_mem>>, %arg19: memref<!tpu.dma_semaphore, #tpu.memory_space<semaphore_mem>>, %arg20: memref<!tpu.dma_semaphore, #tpu.memory_space<semaphore_mem>>, %arg21: memref<!tpu.dma_semaphore, #tpu.memory_space<semaphore_mem>>, %arg22: memref<!tpu.dma_semaphore, #tpu.memory_space<semaphore_mem>>) attributes {dimension_semantics = [#tpu.dimension_semantics<core_parallel>, #tpu.dimension_semantics<subcore_parallel>], iteration_bounds = array<i64: 2, 16>, scalar_prefetch = 0 : i64, scratch_operands = 14 : i64, tpu.core_type = #tpu.core_type<sc_vector_subcore>, window_params = [{transform_indices = #map}, {transform_indices = #map}, {transform_indices = #map}, {transform_indices = #map}, {transform_indices = #map}, {transform_indices = #map}, {transform_indices = #map1}]} {
    %mul3A = arith.constant 80 : i32
    %mul3A_0 = arith.muli %arg1, %mul3A : i32
    %scan3A = arith.constant 0 : i32
    %scan3A_1 = arith.constant 79 : i32
    %scan3A_2 = arith.addi %scan3A, %scan3A_1 : i32
    %scan3A_3 = arith.constant 1 : i32
    scf.for %scan3A_80 = %scan3A to %scan3A_2 step %scan3A_3  : i32 {
      %mul3A_81 = arith.constant 1 : i32
      %mul3A_82 = arith.muli %scan3A_80, %mul3A_81 : i32
      %add3A_83 = arith.constant 0 : i32
      %add3A_84 = arith.addi %add3A_83, %mul3A_82 : i32
      %mul3A_85 = arith.constant 16 : i32
      %mul3A_86 = arith.muli %add3A_84, %mul3A_85 : i32
      %add3A_87 = arith.addi %mul3A_86, %arg1 : i32
      %lt3A = arith.constant 1256 : i32
      %lt3A_88 = arith.cmpi slt, %add3A_87, %lt3A : i32
      %convert_element_type3A = arith.extui %lt3A_88 : i1 to i32
      %cond3A = arith.constant 0 : i32
      %cond3A_89 = arith.cmpi ne, %convert_element_type3A, %cond3A : i32
      scf.if %cond3A_89 {
        %mul3A_90 = arith.constant 8 : i32
        %mul3A_91 = arith.muli %add3A_87, %mul3A_90 : i32
        "tpu.region"() ({
          %run_scoped3A = tpu.sem_alloc : memref<!tpu.dma_semaphore, #tpu.memory_space<semaphore_mem>>
          %dma_start3A_92 = arith.constant 0 : i32
          %dma_start3A_93 = tpu.memref_slice %arg16[%mul3A_91, %dma_start3A_92] : memref<10048x128xf32, #tpu.memory_space<vmem_shared>> -> memref<8x128xf32, #tpu.memory_space<vmem_shared>>
          tpu.enqueue_dma source(%arg4 : memref<8x128xf32, #tpu.memory_space<hbm>>) target(%dma_start3A_93 : memref<8x128xf32, #tpu.memory_space<vmem_shared>>) target_semaphore(%run_scoped3A : memref<!tpu.dma_semaphore, #tpu.memory_space<semaphore_mem>>)
          %dma_wait3A_94 = arith.constant 0 : i32
          %dma_wait3A_95 = tpu.memref_slice %arg16[%mul3A_91, %dma_wait3A_94] : memref<10048x128xf32, #tpu.memory_space<vmem_shared>> -> memref<8x128xf32, #tpu.memory_space<vmem_shared>>
          tpu.wait_dma2 semaphore(%run_scoped3A : memref<!tpu.dma_semaphore, #tpu.memory_space<semaphore_mem>>) src(%arg4 : memref<8x128xf32, #tpu.memory_space<hbm>>) dst(%dma_wait3A_95 : memref<8x128xf32, #tpu.memory_space<vmem_shared>>)
          tpu.yield
        }) : () -> ()
      } else {
      }
    }
    %scan3A_4 = arith.constant 79 : i32
    %barrier3A = arith.constant 0 : index
    tpu.barrier barrier_id(%barrier3A)
    %dma_start3A = arith.constant 0 : i32
    %dma_start3A_5 = tpu.memref_slice %arg3[%mul3A_0, %dma_start3A] : memref<2560x128xi32, #tpu.memory_space<hbm>> -> memref<2x128xi32, #tpu.memory_space<hbm>>
    %dma_start3A_6 = arith.constant 0 : i32
    %dma_start3A_7 = tpu.memref_slice %arg3[%mul3A_0, %dma_start3A_6] : memref<2560x128xi32, #tpu.memory_space<hbm>> -> memref<2x128xi32, #tpu.memory_space<hbm>>
    tpu.enqueue_dma source(%dma_start3A_7 : memref<2x128xi32, #tpu.memory_space<hbm>>) target(%arg9 : memref<2x128xi32, #tpu.memory_space<vmem>>) target_semaphore(%arg17 : memref<!tpu.dma_semaphore, #tpu.memory_space<semaphore_mem>>)
    %add3A = arith.constant 1280 : i32
    %add3A_8 = arith.addi %add3A, %mul3A_0 : i32
    %dma_start3A_9 = arith.constant 0 : i32
    %dma_start3A_10 = tpu.memref_slice %arg3[%add3A_8, %dma_start3A_9] : memref<2560x128xi32, #tpu.memory_space<hbm>> -> memref<2x128xi32, #tpu.memory_space<hbm>>
    %dma_start3A_11 = arith.constant 0 : i32
    %dma_start3A_12 = tpu.memref_slice %arg3[%add3A_8, %dma_start3A_11] : memref<2560x128xi32, #tpu.memory_space<hbm>> -> memref<2x128xi32, #tpu.memory_space<hbm>>
    tpu.enqueue_dma source(%dma_start3A_12 : memref<2x128xi32, #tpu.memory_space<hbm>>) target(%arg10 : memref<2x128xi32, #tpu.memory_space<vmem>>) target_semaphore(%arg17 : memref<!tpu.dma_semaphore, #tpu.memory_space<semaphore_mem>>)
    %scan3A_13 = arith.constant 0 : i32
    %scan3A_14 = arith.constant 20 : i32
    %scan3A_15 = arith.addi %scan3A_13, %scan3A_14 : i32
    %scan3A_16 = arith.constant 1 : i32
    scf.for %scan3A_80 = %scan3A_13 to %scan3A_15 step %scan3A_16  : i32 {
      %mul3A_81 = arith.constant 1 : i32
      %mul3A_82 = arith.muli %scan3A_80, %mul3A_81 : i32
      %add3A_83 = arith.constant 0 : i32
      %add3A_84 = arith.addi %add3A_83, %mul3A_82 : i32
      %mul3A_85 = arith.constant 4 : i32
      %mul3A_86 = arith.muli %add3A_84, %mul3A_85 : i32
      %add3A_87 = arith.addi %mul3A_0, %mul3A_86 : i32
      %dma_wait3A_88 = arith.constant 0 : i32
      %dma_wait3A_89 = arith.constant 0 : i32
      %dma_wait3A_90 = tpu.memref_slice %arg3[%dma_wait3A_88, %dma_wait3A_89] : memref<2560x128xi32, #tpu.memory_space<hbm>> -> memref<2x128xi32, #tpu.memory_space<hbm>>
      %dma_wait3A_91 = arith.constant 0 : i32
      %dma_wait3A_92 = arith.constant 0 : i32
      %dma_wait3A_93 = tpu.memref_slice %arg3[%dma_wait3A_91, %dma_wait3A_92] : memref<2560x128xi32, #tpu.memory_space<hbm>> -> memref<2x128xi32, #tpu.memory_space<hbm>>
      tpu.wait_dma2 semaphore(%arg17 : memref<!tpu.dma_semaphore, #tpu.memory_space<semaphore_mem>>) src(%dma_wait3A_93 : memref<2x128xi32, #tpu.memory_space<hbm>>) dst(%arg9 : memref<2x128xi32, #tpu.memory_space<vmem>>)
      %dma_wait3A_94 = arith.constant 0 : i32
      %dma_wait3A_95 = arith.constant 0 : i32
      %dma_wait3A_96 = tpu.memref_slice %arg3[%dma_wait3A_94, %dma_wait3A_95] : memref<2560x128xi32, #tpu.memory_space<hbm>> -> memref<2x128xi32, #tpu.memory_space<hbm>>
      %dma_wait3A_97 = arith.constant 0 : i32
      %dma_wait3A_98 = arith.constant 0 : i32
      %dma_wait3A_99 = tpu.memref_slice %arg3[%dma_wait3A_97, %dma_wait3A_98] : memref<2560x128xi32, #tpu.memory_space<hbm>> -> memref<2x128xi32, #tpu.memory_space<hbm>>
      tpu.wait_dma2 semaphore(%arg17 : memref<!tpu.dma_semaphore, #tpu.memory_space<semaphore_mem>>) src(%dma_wait3A_99 : memref<2x128xi32, #tpu.memory_space<hbm>>) dst(%arg10 : memref<2x128xi32, #tpu.memory_space<vmem>>)
      %scan3A_100 = arith.constant 0 : i32
      %scan3A_101 = arith.constant 8 : i32
      %scan3A_102 = arith.addi %scan3A_100, %scan3A_101 : i32
      %scan3A_103 = arith.constant 1 : i32
      scf.for %scan3A_255 = %scan3A_100 to %scan3A_102 step %scan3A_103  : i32 {
        %mul3A_256 = arith.constant 16 : i32
        %mul3A_257 = arith.muli %scan3A_255, %mul3A_256 : i32
        %add3A_258 = arith.constant 0 : i32
        %add3A_259 = arith.addi %add3A_258, %mul3A_257 : i32
        %get3A = arith.constant 0 : i32
        %get3A_260 = arith.index_cast %get3A : i32 to index
        %get3A_261 = arith.index_cast %add3A_259 : i32 to index
        %get3A_262 = tpu.vector_load %arg9[%get3A_260, %get3A_261] {strides = array<i32>} : memref<2x128xi32, #tpu.memory_space<vmem>>, vector<1x16xi32>,
        %get3A_263 = vector.shape_cast %get3A_262 : vector<1x16xi32> to vector<16xi32>
        %mul3A_264 = arith.constant 2 : i32
        %mul3A_265 = vector.broadcast %mul3A_264 : i32 to vector<16xi32>
        %mul3A_266 = arith.muli %get3A_263, %mul3A_265 : vector<16xi32>
        %add3A_267 = vector.broadcast %arg0 : i32 to vector<16xi32>
        %add3A_268 = arith.addi %mul3A_266, %add3A_267 : vector<16xi32>
        %swap3A = arith.constant 0 : i32
        %swap3A_269 = arith.index_cast %swap3A : i32 to index
        %swap3A_270 = arith.index_cast %add3A_259 : i32 to index
        %swap3A_271 = tpu.vector_load %arg13[%swap3A_269, %swap3A_270] {strides = array<i32>} : memref<2x128xi32, #tpu.memory_space<vmem>>, vector<1x16xi32>,
        %swap3A_272 = vector.shape_cast %swap3A_271 : vector<1x16xi32> to vector<16xi32>
        %swap3A_273 = vector.shape_cast %add3A_268 : vector<16xi32> to vector<1x16xi32>
        tpu.vector_store %arg13[%swap3A_269, %swap3A_270], %swap3A_273 {strides = array<i32>} : memref<2x128xi32, #tpu.memory_space<vmem>>, vector<1x16xi32>,
      }
      %scan3A_104 = arith.constant 8 : i32
      %scan3A_105 = arith.constant 0 : i32
      %scan3A_106 = arith.constant 8 : i32
      %scan3A_107 = arith.addi %scan3A_105, %scan3A_106 : i32
      %scan3A_108 = arith.constant 1 : i32
      scf.for %scan3A_255 = %scan3A_105 to %scan3A_107 step %scan3A_108  : i32 {
        %mul3A_256 = arith.constant 16 : i32
        %mul3A_257 = arith.muli %scan3A_255, %mul3A_256 : i32
        %add3A_258 = arith.constant 0 : i32
        %add3A_259 = arith.addi %add3A_258, %mul3A_257 : i32
        %get3A = arith.constant 1 : i32
        %get3A_260 = arith.index_cast %get3A : i32 to index
        %get3A_261 = arith.index_cast %add3A_259 : i32 to index
        %get3A_262 = tpu.vector_load %arg9[%get3A_260, %get3A_261] {strides = array<i32>} : memref<2x128xi32, #tpu.memory_space<vmem>>, vector<1x16xi32>,
        %get3A_263 = vector.shape_cast %get3A_262 : vector<1x16xi32> to vector<16xi32>
        %mul3A_264 = arith.constant 2 : i32
        %mul3A_265 = vector.broadcast %mul3A_264 : i32 to vector<16xi32>
        %mul3A_266 = arith.muli %get3A_263, %mul3A_265 : vector<16xi32>
        %add3A_267 = vector.broadcast %arg0 : i32 to vector<16xi32>
        %add3A_268 = arith.addi %mul3A_266, %add3A_267 : vector<16xi32>
        %swap3A = arith.constant 1 : i32
        %swap3A_269 = arith.index_cast %swap3A : i32 to index
        %swap3A_270 = arith.index_cast %add3A_259 : i32 to index
        %swap3A_271 = tpu.vector_load %arg13[%swap3A_269, %swap3A_270] {strides = array<i32>} : memref<2x128xi32, #tpu.memory_space<vmem>>, vector<1x16xi32>,
        %swap3A_272 = vector.shape_cast %swap3A_271 : vector<1x16xi32> to vector<16xi32>
        %swap3A_273 = vector.shape_cast %add3A_268 : vector<16xi32> to vector<1x16xi32>
        tpu.vector_store %arg13[%swap3A_269, %swap3A_270], %swap3A_273 {strides = array<i32>} : memref<2x128xi32, #tpu.memory_space<vmem>>, vector<1x16xi32>,
      }
      %scan3A_109 = arith.constant 8 : i32
      %gt3A = arith.constant 0 : i32
      %gt3A_110 = arith.cmpi sgt, %add3A_84, %gt3A : i32
      %convert_element_type3A = arith.extui %gt3A_110 : i1 to i32
      %cond3A = arith.constant 0 : i32
      %cond3A_111 = arith.cmpi ne, %convert_element_type3A, %cond3A : i32
      scf.if %cond3A_111 {
        %dma_wait3A_255 = arith.constant 0 : i32
        %dma_wait3A_256 = arith.constant 0 : i32
        %dma_wait3A_257 = tpu.memref_slice %arg12[%dma_wait3A_255, %dma_wait3A_256] : memref<2x128xi32, #tpu.memory_space<vmem>> -> memref<1x128xi32, #tpu.memory_space<vmem>>
        %dma_wait3A_258 = tpu.memref_squeeze %dma_wait3A_257 : memref<1x128xi32, #tpu.memory_space<vmem>> -> memref<128xi32, #tpu.memory_space<vmem>>
        %dma_wait3A_259 = arith.constant 0 : i32
        %dma_wait3A_260 = arith.constant 0 : i32
        %dma_wait3A_261 = tpu.memref_slice %arg16[%dma_wait3A_259, %dma_wait3A_260] : memref<10048x128xf32, #tpu.memory_space<vmem_shared>> -> memref<10048x128xf32, #tpu.memory_space<vmem_shared>>
        tpu.wait_indirect_dma semaphore(%arg21 : memref<!tpu.dma_semaphore, #tpu.memory_space<semaphore_mem>>) src(%arg14 : memref<128x128xf32, #tpu.memory_space<vmem>>) dst(%dma_wait3A_261 : memref<10048x128xf32, #tpu.memory_space<vmem_shared>>)
      } else {
      }
      %dma_start3A_112 = arith.constant 0 : i32
      %dma_start3A_113 = arith.constant 0 : i32
      %dma_start3A_114 = tpu.memref_slice %arg13[%dma_start3A_112, %dma_start3A_113] : memref<2x128xi32, #tpu.memory_space<vmem>> -> memref<1x128xi32, #tpu.memory_space<vmem>>
      %dma_start3A_115 = tpu.memref_squeeze %dma_start3A_114 : memref<1x128xi32, #tpu.memory_space<vmem>> -> memref<128xi32, #tpu.memory_space<vmem>>
      %dma_start3A_116 = arith.constant 0 : i32
      %dma_start3A_117 = arith.constant 0 : i32
      %dma_start3A_118 = tpu.memref_slice %arg2[%dma_start3A_116, %dma_start3A_117] : memref<20000x128xf32, #tpu.memory_space<hbm>> -> memref<20000x128xf32, #tpu.memory_space<hbm>>
      tpu.enqueue_indirect_dma source(%dma_start3A_118 : memref<20000x128xf32, #tpu.memory_space<hbm>>) target(%arg14 : memref<128x128xf32, #tpu.memory_space<vmem>>) offsets(%dma_start3A_115 : memref<128xi32, #tpu.memory_space<vmem>>) semaphore(%arg19 : memref<!tpu.dma_semaphore, #tpu.memory_space<semaphore_mem>>)
      %gt3A_119 = arith.constant 0 : i32
      %gt3A_120 = arith.cmpi sgt, %add3A_84, %gt3A_119 : i32
      %convert_element_type3A_121 = arith.extui %gt3A_120 : i1 to i32
      %cond3A_122 = arith.constant 0 : i32
      %cond3A_123 = arith.cmpi ne, %convert_element_type3A_121, %cond3A_122 : i32
      scf.if %cond3A_123 {
        %dma_wait3A_255 = arith.constant 1 : i32
        %dma_wait3A_256 = arith.constant 0 : i32
        %dma_wait3A_257 = tpu.memref_slice %arg12[%dma_wait3A_255, %dma_wait3A_256] : memref<2x128xi32, #tpu.memory_space<vmem>> -> memref<1x128xi32, #tpu.memory_space<vmem>>
        %dma_wait3A_258 = tpu.memref_squeeze %dma_wait3A_257 : memref<1x128xi32, #tpu.memory_space<vmem>> -> memref<128xi32, #tpu.memory_space<vmem>>
        %dma_wait3A_259 = arith.constant 0 : i32
        %dma_wait3A_260 = arith.constant 0 : i32
        %dma_wait3A_261 = tpu.memref_slice %arg16[%dma_wait3A_259, %dma_wait3A_260] : memref<10048x128xf32, #tpu.memory_space<vmem_shared>> -> memref<10048x128xf32, #tpu.memory_space<vmem_shared>>
        tpu.wait_indirect_dma semaphore(%arg22 : memref<!tpu.dma_semaphore, #tpu.memory_space<semaphore_mem>>) src(%arg15 : memref<128x128xf32, #tpu.memory_space<vmem>>) dst(%dma_wait3A_261 : memref<10048x128xf32, #tpu.memory_space<vmem_shared>>)
      } else {
      }
      %dma_start3A_124 = arith.constant 1 : i32
      %dma_start3A_125 = arith.constant 0 : i32
      %dma_start3A_126 = tpu.memref_slice %arg13[%dma_start3A_124, %dma_start3A_125] : memref<2x128xi32, #tpu.memory_space<vmem>> -> memref<1x128xi32, #tpu.memory_space<vmem>>
      %dma_start3A_127 = tpu.memref_squeeze %dma_start3A_126 : memref<1x128xi32, #tpu.memory_space<vmem>> -> memref<128xi32, #tpu.memory_space<vmem>>
      %dma_start3A_128 = arith.constant 0 : i32
      %dma_start3A_129 = arith.constant 0 : i32
      %dma_start3A_130 = tpu.memref_slice %arg2[%dma_start3A_128, %dma_start3A_129] : memref<20000x128xf32, #tpu.memory_space<hbm>> -> memref<20000x128xf32, #tpu.memory_space<hbm>>
      tpu.enqueue_indirect_dma source(%dma_start3A_130 : memref<20000x128xf32, #tpu.memory_space<hbm>>) target(%arg15 : memref<128x128xf32, #tpu.memory_space<vmem>>) offsets(%dma_start3A_127 : memref<128xi32, #tpu.memory_space<vmem>>) semaphore(%arg20 : memref<!tpu.dma_semaphore, #tpu.memory_space<semaphore_mem>>)
      %add3A_131 = arith.constant 2 : i32
      %add3A_132 = arith.addi %add3A_87, %add3A_131 : i32
      %dma_start3A_133 = arith.constant 0 : i32
      %dma_start3A_134 = tpu.memref_slice %arg3[%add3A_132, %dma_start3A_133] : memref<2560x128xi32, #tpu.memory_space<hbm>> -> memref<2x128xi32, #tpu.memory_space<hbm>>
      %dma_start3A_135 = arith.constant 0 : i32
      %dma_start3A_136 = tpu.memref_slice %arg3[%add3A_132, %dma_start3A_135] : memref<2560x128xi32, #tpu.memory_space<hbm>> -> memref<2x128xi32, #tpu.memory_space<hbm>>
      tpu.enqueue_dma source(%dma_start3A_136 : memref<2x128xi32, #tpu.memory_space<hbm>>) target(%arg11 : memref<2x128xi32, #tpu.memory_space<vmem>>) target_semaphore(%arg18 : memref<!tpu.dma_semaphore, #tpu.memory_space<semaphore_mem>>)
      %add3A_137 = arith.constant 1280 : i32
      %add3A_138 = arith.addi %add3A_137, %add3A_132 : i32
      %dma_start3A_139 = arith.constant 0 : i32
      %dma_start3A_140 = tpu.memref_slice %arg3[%add3A_138, %dma_start3A_139] : memref<2560x128xi32, #tpu.memory_space<hbm>> -> memref<2x128xi32, #tpu.memory_space<hbm>>
      %dma_start3A_141 = arith.constant 0 : i32
      %dma_start3A_142 = tpu.memref_slice %arg3[%add3A_138, %dma_start3A_141] : memref<2560x128xi32, #tpu.memory_space<hbm>> -> memref<2x128xi32, #tpu.memory_space<hbm>>
      tpu.enqueue_dma source(%dma_start3A_142 : memref<2x128xi32, #tpu.memory_space<hbm>>) target(%arg12 : memref<2x128xi32, #tpu.memory_space<vmem>>) target_semaphore(%arg18 : memref<!tpu.dma_semaphore, #tpu.memory_space<semaphore_mem>>)
      %dma_wait3A_143 = arith.constant 0 : i32
      %dma_wait3A_144 = arith.constant 0 : i32
      %dma_wait3A_145 = tpu.memref_slice %arg13[%dma_wait3A_143, %dma_wait3A_144] : memref<2x128xi32, #tpu.memory_space<vmem>> -> memref<1x128xi32, #tpu.memory_space<vmem>>
      %dma_wait3A_146 = tpu.memref_squeeze %dma_wait3A_145 : memref<1x128xi32, #tpu.memory_space<vmem>> -> memref<128xi32, #tpu.memory_space<vmem>>
      %dma_wait3A_147 = arith.constant 0 : i32
      %dma_wait3A_148 = arith.constant 0 : i32
      %dma_wait3A_149 = tpu.memref_slice %arg2[%dma_wait3A_147, %dma_wait3A_148] : memref<20000x128xf32, #tpu.memory_space<hbm>> -> memref<20000x128xf32, #tpu.memory_space<hbm>>
      tpu.wait_indirect_dma semaphore(%arg19 : memref<!tpu.dma_semaphore, #tpu.memory_space<semaphore_mem>>) src(%dma_wait3A_149 : memref<20000x128xf32, #tpu.memory_space<hbm>>) dst(%arg14 : memref<128x128xf32, #tpu.memory_space<vmem>>)
      %dma_start3A_150 = arith.constant 0 : i32
      %dma_start3A_151 = arith.constant 0 : i32
      %dma_start3A_152 = tpu.memref_slice %arg10[%dma_start3A_150, %dma_start3A_151] : memref<2x128xi32, #tpu.memory_space<vmem>> -> memref<1x128xi32, #tpu.memory_space<vmem>>
      %dma_start3A_153 = tpu.memref_squeeze %dma_start3A_152 : memref<1x128xi32, #tpu.memory_space<vmem>> -> memref<128xi32, #tpu.memory_space<vmem>>
      %dma_start3A_154 = arith.constant 0 : i32
      %dma_start3A_155 = arith.constant 0 : i32
      %dma_start3A_156 = tpu.memref_slice %arg16[%dma_start3A_154, %dma_start3A_155] : memref<10048x128xf32, #tpu.memory_space<vmem_shared>> -> memref<10048x128xf32, #tpu.memory_space<vmem_shared>>
      tpu.enqueue_indirect_dma source(%arg14 : memref<128x128xf32, #tpu.memory_space<vmem>>) target(%dma_start3A_156 : memref<10048x128xf32, #tpu.memory_space<vmem_shared>>) offsets(%dma_start3A_153 : memref<128xi32, #tpu.memory_space<vmem>>) semaphore(%arg21 : memref<!tpu.dma_semaphore, #tpu.memory_space<semaphore_mem>>) {add = true}
      %dma_wait3A_157 = arith.constant 1 : i32
      %dma_wait3A_158 = arith.constant 0 : i32
      %dma_wait3A_159 = tpu.memref_slice %arg13[%dma_wait3A_157, %dma_wait3A_158] : memref<2x128xi32, #tpu.memory_space<vmem>> -> memref<1x128xi32, #tpu.memory_space<vmem>>
      %dma_wait3A_160 = tpu.memref_squeeze %dma_wait3A_159 : memref<1x128xi32, #tpu.memory_space<vmem>> -> memref<128xi32, #tpu.memory_space<vmem>>
      %dma_wait3A_161 = arith.constant 0 : i32
      %dma_wait3A_162 = arith.constant 0 : i32
      %dma_wait3A_163 = tpu.memref_slice %arg2[%dma_wait3A_161, %dma_wait3A_162] : memref<20000x128xf32, #tpu.memory_space<hbm>> -> memref<20000x128xf32, #tpu.memory_space<hbm>>
      tpu.wait_indirect_dma semaphore(%arg20 : memref<!tpu.dma_semaphore, #tpu.memory_space<semaphore_mem>>) src(%dma_wait3A_163 : memref<20000x128xf32, #tpu.memory_space<hbm>>) dst(%arg15 : memref<128x128xf32, #tpu.memory_space<vmem>>)
      %dma_start3A_164 = arith.constant 1 : i32
      %dma_start3A_165 = arith.constant 0 : i32
      %dma_start3A_166 = tpu.memref_slice %arg10[%dma_start3A_164, %dma_start3A_165] : memref<2x128xi32, #tpu.memory_space<vmem>> -> memref<1x128xi32, #tpu.memory_space<vmem>>
      %dma_start3A_167 = tpu.memref_squeeze %dma_start3A_166 : memref<1x128xi32, #tpu.memory_space<vmem>> -> memref<128xi32, #tpu.memory_space<vmem>>
      %dma_start3A_168 = arith.constant 0 : i32
      %dma_start3A_169 = arith.constant 0 : i32
      %dma_start3A_170 = tpu.memref_slice %arg16[%dma_start3A_168, %dma_start3A_169] : memref<10048x128xf32, #tpu.memory_space<vmem_shared>> -> memref<10048x128xf32, #tpu.memory_space<vmem_shared>>
      tpu.enqueue_indirect_dma source(%arg15 : memref<128x128xf32, #tpu.memory_space<vmem>>) target(%dma_start3A_170 : memref<10048x128xf32, #tpu.memory_space<vmem_shared>>) offsets(%dma_start3A_167 : memref<128xi32, #tpu.memory_space<vmem>>) semaphore(%arg22 : memref<!tpu.dma_semaphore, #tpu.memory_space<semaphore_mem>>) {add = true}
      %dma_wait3A_171 = arith.constant 0 : i32
      %dma_wait3A_172 = arith.constant 0 : i32
      %dma_wait3A_173 = tpu.memref_slice %arg3[%dma_wait3A_171, %dma_wait3A_172] : memref<2560x128xi32, #tpu.memory_space<hbm>> -> memref<2x128xi32, #tpu.memory_space<hbm>>
      %dma_wait3A_174 = arith.constant 0 : i32
      %dma_wait3A_175 = arith.constant 0 : i32
      %dma_wait3A_176 = tpu.memref_slice %arg3[%dma_wait3A_174, %dma_wait3A_175] : memref<2560x128xi32, #tpu.memory_space<hbm>> -> memref<2x128xi32, #tpu.memory_space<hbm>>
      tpu.wait_dma2 semaphore(%arg18 : memref<!tpu.dma_semaphore, #tpu.memory_space<semaphore_mem>>) src(%dma_wait3A_176 : memref<2x128xi32, #tpu.memory_space<hbm>>) dst(%arg11 : memref<2x128xi32, #tpu.memory_space<vmem>>)
      %dma_wait3A_177 = arith.constant 0 : i32
      %dma_wait3A_178 = arith.constant 0 : i32
      %dma_wait3A_179 = tpu.memref_slice %arg3[%dma_wait3A_177, %dma_wait3A_178] : memref<2560x128xi32, #tpu.memory_space<hbm>> -> memref<2x128xi32, #tpu.memory_space<hbm>>
      %dma_wait3A_180 = arith.constant 0 : i32
      %dma_wait3A_181 = arith.constant 0 : i32
      %dma_wait3A_182 = tpu.memref_slice %arg3[%dma_wait3A_180, %dma_wait3A_181] : memref<2560x128xi32, #tpu.memory_space<hbm>> -> memref<2x128xi32, #tpu.memory_space<hbm>>
      tpu.wait_dma2 semaphore(%arg18 : memref<!tpu.dma_semaphore, #tpu.memory_space<semaphore_mem>>) src(%dma_wait3A_182 : memref<2x128xi32, #tpu.memory_space<hbm>>) dst(%arg12 : memref<2x128xi32, #tpu.memory_space<vmem>>)
      %scan3A_183 = arith.constant 0 : i32
      %scan3A_184 = arith.constant 8 : i32
      %scan3A_185 = arith.addi %scan3A_183, %scan3A_184 : i32
      %scan3A_186 = arith.constant 1 : i32
      scf.for %scan3A_255 = %scan3A_183 to %scan3A_185 step %scan3A_186  : i32 {
        %mul3A_256 = arith.constant 16 : i32
        %mul3A_257 = arith.muli %scan3A_255, %mul3A_256 : i32
        %add3A_258 = arith.constant 0 : i32
        %add3A_259 = arith.addi %add3A_258, %mul3A_257 : i32
        %get3A = arith.constant 0 : i32
        %get3A_260 = arith.index_cast %get3A : i32 to index
        %get3A_261 = arith.index_cast %add3A_259 : i32 to index
        %get3A_262 = tpu.vector_load %arg11[%get3A_260, %get3A_261] {strides = array<i32>} : memref<2x128xi32, #tpu.memory_space<vmem>>, vector<1x16xi32>,
        %get3A_263 = vector.shape_cast %get3A_262 : vector<1x16xi32> to vector<16xi32>
        %mul3A_264 = arith.constant 2 : i32
        %mul3A_265 = vector.broadcast %mul3A_264 : i32 to vector<16xi32>
        %mul3A_266 = arith.muli %get3A_263, %mul3A_265 : vector<16xi32>
        %add3A_267 = vector.broadcast %arg0 : i32 to vector<16xi32>
        %add3A_268 = arith.addi %mul3A_266, %add3A_267 : vector<16xi32>
        %swap3A = arith.constant 0 : i32
        %swap3A_269 = arith.index_cast %swap3A : i32 to index
        %swap3A_270 = arith.index_cast %add3A_259 : i32 to index
        %swap3A_271 = tpu.vector_load %arg13[%swap3A_269, %swap3A_270] {strides = array<i32>} : memref<2x128xi32, #tpu.memory_space<vmem>>, vector<1x16xi32>,
        %swap3A_272 = vector.shape_cast %swap3A_271 : vector<1x16xi32> to vector<16xi32>
        %swap3A_273 = vector.shape_cast %add3A_268 : vector<16xi32> to vector<1x16xi32>
        tpu.vector_store %arg13[%swap3A_269, %swap3A_270], %swap3A_273 {strides = array<i32>} : memref<2x128xi32, #tpu.memory_space<vmem>>, vector<1x16xi32>,
      }
      %scan3A_187 = arith.constant 8 : i32
      %scan3A_188 = arith.constant 0 : i32
      %scan3A_189 = arith.constant 8 : i32
      %scan3A_190 = arith.addi %scan3A_188, %scan3A_189 : i32
      %scan3A_191 = arith.constant 1 : i32
      scf.for %scan3A_255 = %scan3A_188 to %scan3A_190 step %scan3A_191  : i32 {
        %mul3A_256 = arith.constant 16 : i32
        %mul3A_257 = arith.muli %scan3A_255, %mul3A_256 : i32
        %add3A_258 = arith.constant 0 : i32
        %add3A_259 = arith.addi %add3A_258, %mul3A_257 : i32
        %get3A = arith.constant 1 : i32
        %get3A_260 = arith.index_cast %get3A : i32 to index
        %get3A_261 = arith.index_cast %add3A_259 : i32 to index
        %get3A_262 = tpu.vector_load %arg11[%get3A_260, %get3A_261] {strides = array<i32>} : memref<2x128xi32, #tpu.memory_space<vmem>>, vector<1x16xi32>,
        %get3A_263 = vector.shape_cast %get3A_262 : vector<1x16xi32> to vector<16xi32>
        %mul3A_264 = arith.constant 2 : i32
        %mul3A_265 = vector.broadcast %mul3A_264 : i32 to vector<16xi32>
        %mul3A_266 = arith.muli %get3A_263, %mul3A_265 : vector<16xi32>
        %add3A_267 = vector.broadcast %arg0 : i32 to vector<16xi32>
        %add3A_268 = arith.addi %mul3A_266, %add3A_267 : vector<16xi32>
        %swap3A = arith.constant 1 : i32
        %swap3A_269 = arith.index_cast %swap3A : i32 to index
        %swap3A_270 = arith.index_cast %add3A_259 : i32 to index
        %swap3A_271 = tpu.vector_load %arg13[%swap3A_269, %swap3A_270] {strides = array<i32>} : memref<2x128xi32, #tpu.memory_space<vmem>>, vector<1x16xi32>,
        %swap3A_272 = vector.shape_cast %swap3A_271 : vector<1x16xi32> to vector<16xi32>
        %swap3A_273 = vector.shape_cast %add3A_268 : vector<16xi32> to vector<1x16xi32>
        tpu.vector_store %arg13[%swap3A_269, %swap3A_270], %swap3A_273 {strides = array<i32>} : memref<2x128xi32, #tpu.memory_space<vmem>>, vector<1x16xi32>,
      }
      %scan3A_192 = arith.constant 8 : i32
      %dma_wait3A_193 = arith.constant 0 : i32
      %dma_wait3A_194 = arith.constant 0 : i32
      %dma_wait3A_195 = tpu.memref_slice %arg10[%dma_wait3A_193, %dma_wait3A_194] : memref<2x128xi32, #tpu.memory_space<vmem>> -> memref<1x128xi32, #tpu.memory_space<vmem>>
      %dma_wait3A_196 = tpu.memref_squeeze %dma_wait3A_195 : memref<1x128xi32, #tpu.memory_space<vmem>> -> memref<128xi32, #tpu.memory_space<vmem>>
      %dma_wait3A_197 = arith.constant 0 : i32
      %dma_wait3A_198 = arith.constant 0 : i32
      %dma_wait3A_199 = tpu.memref_slice %arg16[%dma_wait3A_197, %dma_wait3A_198] : memref<10048x128xf32, #tpu.memory_space<vmem_shared>> -> memref<10048x128xf32, #tpu.memory_space<vmem_shared>>
      tpu.wait_indirect_dma semaphore(%arg21 : memref<!tpu.dma_semaphore, #tpu.memory_space<semaphore_mem>>) src(%arg14 : memref<128x128xf32, #tpu.memory_space<vmem>>) dst(%dma_wait3A_199 : memref<10048x128xf32, #tpu.memory_space<vmem_shared>>)
      %dma_start3A_200 = arith.constant 0 : i32
      %dma_start3A_201 = arith.constant 0 : i32
      %dma_start3A_202 = tpu.memref_slice %arg13[%dma_start3A_200, %dma_start3A_201] : memref<2x128xi32, #tpu.memory_space<vmem>> -> memref<1x128xi32, #tpu.memory_space<vmem>>
      %dma_start3A_203 = tpu.memref_squeeze %dma_start3A_202 : memref<1x128xi32, #tpu.memory_space<vmem>> -> memref<128xi32, #tpu.memory_space<vmem>>
      %dma_start3A_204 = arith.constant 0 : i32
      %dma_start3A_205 = arith.constant 0 : i32
      %dma_start3A_206 = tpu.memref_slice %arg2[%dma_start3A_204, %dma_start3A_205] : memref<20000x128xf32, #tpu.memory_space<hbm>> -> memref<20000x128xf32, #tpu.memory_space<hbm>>
      tpu.enqueue_indirect_dma source(%dma_start3A_206 : memref<20000x128xf32, #tpu.memory_space<hbm>>) target(%arg14 : memref<128x128xf32, #tpu.memory_space<vmem>>) offsets(%dma_start3A_203 : memref<128xi32, #tpu.memory_space<vmem>>) semaphore(%arg19 : memref<!tpu.dma_semaphore, #tpu.memory_space<semaphore_mem>>)
      %dma_wait3A_207 = arith.constant 1 : i32
      %dma_wait3A_208 = arith.constant 0 : i32
      %dma_wait3A_209 = tpu.memref_slice %arg10[%dma_wait3A_207, %dma_wait3A_208] : memref<2x128xi32, #tpu.memory_space<vmem>> -> memref<1x128xi32, #tpu.memory_space<vmem>>
      %dma_wait3A_210 = tpu.memref_squeeze %dma_wait3A_209 : memref<1x128xi32, #tpu.memory_space<vmem>> -> memref<128xi32, #tpu.memory_space<vmem>>
      %dma_wait3A_211 = arith.constant 0 : i32
      %dma_wait3A_212 = arith.constant 0 : i32
      %dma_wait3A_213 = tpu.memref_slice %arg16[%dma_wait3A_211, %dma_wait3A_212] : memref<10048x128xf32, #tpu.memory_space<vmem_shared>> -> memref<10048x128xf32, #tpu.memory_space<vmem_shared>>
      tpu.wait_indirect_dma semaphore(%arg22 : memref<!tpu.dma_semaphore, #tpu.memory_space<semaphore_mem>>) src(%arg15 : memref<128x128xf32, #tpu.memory_space<vmem>>) dst(%dma_wait3A_213 : memref<10048x128xf32, #tpu.memory_space<vmem_shared>>)
      %dma_start3A_214 = arith.constant 1 : i32
      %dma_start3A_215 = arith.constant 0 : i32
      %dma_start3A_216 = tpu.memref_slice %arg13[%dma_start3A_214, %dma_start3A_215] : memref<2x128xi32, #tpu.memory_space<vmem>> -> memref<1x128xi32, #tpu.memory_space<vmem>>
      %dma_start3A_217 = tpu.memref_squeeze %dma_start3A_216 : memref<1x128xi32, #tpu.memory_space<vmem>> -> memref<128xi32, #tpu.memory_space<vmem>>
      %dma_start3A_218 = arith.constant 0 : i32
      %dma_start3A_219 = arith.constant 0 : i32
      %dma_start3A_220 = tpu.memref_slice %arg2[%dma_start3A_218, %dma_start3A_219] : memref<20000x128xf32, #tpu.memory_space<hbm>> -> memref<20000x128xf32, #tpu.memory_space<hbm>>
      tpu.enqueue_indirect_dma source(%dma_start3A_220 : memref<20000x128xf32, #tpu.memory_space<hbm>>) target(%arg15 : memref<128x128xf32, #tpu.memory_space<vmem>>) offsets(%dma_start3A_217 : memref<128xi32, #tpu.memory_space<vmem>>) semaphore(%arg20 : memref<!tpu.dma_semaphore, #tpu.memory_space<semaphore_mem>>)
      %add3A_221 = arith.constant 1 : i32
      %add3A_222 = arith.addi %add3A_84, %add3A_221 : i32
      %lt3A = arith.constant 20 : i32
      %lt3A_223 = arith.cmpi slt, %add3A_222, %lt3A : i32
      %convert_element_type3A_224 = arith.extui %lt3A_223 : i1 to i32
      %cond3A_225 = arith.constant 0 : i32
      %cond3A_226 = arith.cmpi ne, %convert_element_type3A_224, %cond3A_225 : i32
      scf.if %cond3A_226 {
        %add3A_255 = arith.constant 4 : i32
        %add3A_256 = arith.addi %add3A_87, %add3A_255 : i32
        %dma_start3A_257 = arith.constant 0 : i32
        %dma_start3A_258 = tpu.memref_slice %arg3[%add3A_256, %dma_start3A_257] : memref<2560x128xi32, #tpu.memory_space<hbm>> -> memref<2x128xi32, #tpu.memory_space<hbm>>
        %dma_start3A_259 = arith.constant 0 : i32
        %dma_start3A_260 = tpu.memref_slice %arg3[%add3A_256, %dma_start3A_259] : memref<2560x128xi32, #tpu.memory_space<hbm>> -> memref<2x128xi32, #tpu.memory_space<hbm>>
        tpu.enqueue_dma source(%dma_start3A_260 : memref<2x128xi32, #tpu.memory_space<hbm>>) target(%arg9 : memref<2x128xi32, #tpu.memory_space<vmem>>) target_semaphore(%arg17 : memref<!tpu.dma_semaphore, #tpu.memory_space<semaphore_mem>>)
        %add3A_261 = arith.constant 1280 : i32
        %add3A_262 = arith.addi %add3A_261, %add3A_256 : i32
        %dma_start3A_263 = arith.constant 0 : i32
        %dma_start3A_264 = tpu.memref_slice %arg3[%add3A_262, %dma_start3A_263] : memref<2560x128xi32, #tpu.memory_space<hbm>> -> memref<2x128xi32, #tpu.memory_space<hbm>>
        %dma_start3A_265 = arith.constant 0 : i32
        %dma_start3A_266 = tpu.memref_slice %arg3[%add3A_262, %dma_start3A_265] : memref<2560x128xi32, #tpu.memory_space<hbm>> -> memref<2x128xi32, #tpu.memory_space<hbm>>
        tpu.enqueue_dma source(%dma_start3A_266 : memref<2x128xi32, #tpu.memory_space<hbm>>) target(%arg10 : memref<2x128xi32, #tpu.memory_space<vmem>>) target_semaphore(%arg17 : memref<!tpu.dma_semaphore, #tpu.memory_space<semaphore_mem>>)
      } else {
      }
      %dma_wait3A_227 = arith.constant 0 : i32
      %dma_wait3A_228 = arith.constant 0 : i32
      %dma_wait3A_229 = tpu.memref_slice %arg13[%dma_wait3A_227, %dma_wait3A_228] : memref<2x128xi32, #tpu.memory_space<vmem>> -> memref<1x128xi32, #tpu.memory_space<vmem>>
      %dma_wait3A_230 = tpu.memref_squeeze %dma_wait3A_229 : memref<1x128xi32, #tpu.memory_space<vmem>> -> memref<128xi32, #tpu.memory_space<vmem>>
      %dma_wait3A_231 = arith.constant 0 : i32
      %dma_wait3A_232 = arith.constant 0 : i32
      %dma_wait3A_233 = tpu.memref_slice %arg2[%dma_wait3A_231, %dma_wait3A_232] : memref<20000x128xf32, #tpu.memory_space<hbm>> -> memref<20000x128xf32, #tpu.memory_space<hbm>>
      tpu.wait_indirect_dma semaphore(%arg19 : memref<!tpu.dma_semaphore, #tpu.memory_space<semaphore_mem>>) src(%dma_wait3A_233 : memref<20000x128xf32, #tpu.memory_space<hbm>>) dst(%arg14 : memref<128x128xf32, #tpu.memory_space<vmem>>)
      %dma_start3A_234 = arith.constant 0 : i32
      %dma_start3A_235 = arith.constant 0 : i32
      %dma_start3A_236 = tpu.memref_slice %arg12[%dma_start3A_234, %dma_start3A_235] : memref<2x128xi32, #tpu.memory_space<vmem>> -> memref<1x128xi32, #tpu.memory_space<vmem>>
      %dma_start3A_237 = tpu.memref_squeeze %dma_start3A_236 : memref<1x128xi32, #tpu.memory_space<vmem>> -> memref<128xi32, #tpu.memory_space<vmem>>
      %dma_start3A_238 = arith.constant 0 : i32
      %dma_start3A_239 = arith.constant 0 : i32
      %dma_start3A_240 = tpu.memref_slice %arg16[%dma_start3A_238, %dma_start3A_239] : memref<10048x128xf32, #tpu.memory_space<vmem_shared>> -> memref<10048x128xf32, #tpu.memory_space<vmem_shared>>
      tpu.enqueue_indirect_dma source(%arg14 : memref<128x128xf32, #tpu.memory_space<vmem>>) target(%dma_start3A_240 : memref<10048x128xf32, #tpu.memory_space<vmem_shared>>) offsets(%dma_start3A_237 : memref<128xi32, #tpu.memory_space<vmem>>) semaphore(%arg21 : memref<!tpu.dma_semaphore, #tpu.memory_space<semaphore_mem>>) {add = true}
      %dma_wait3A_241 = arith.constant 1 : i32
      %dma_wait3A_242 = arith.constant 0 : i32
      %dma_wait3A_243 = tpu.memref_slice %arg13[%dma_wait3A_241, %dma_wait3A_242] : memref<2x128xi32, #tpu.memory_space<vmem>> -> memref<1x128xi32, #tpu.memory_space<vmem>>
      %dma_wait3A_244 = tpu.memref_squeeze %dma_wait3A_243 : memref<1x128xi32, #tpu.memory_space<vmem>> -> memref<128xi32, #tpu.memory_space<vmem>>
      %dma_wait3A_245 = arith.constant 0 : i32
      %dma_wait3A_246 = arith.constant 0 : i32
      %dma_wait3A_247 = tpu.memref_slice %arg2[%dma_wait3A_245, %dma_wait3A_246] : memref<20000x128xf32, #tpu.memory_space<hbm>> -> memref<20000x128xf32, #tpu.memory_space<hbm>>
      tpu.wait_indirect_dma semaphore(%arg20 : memref<!tpu.dma_semaphore, #tpu.memory_space<semaphore_mem>>) src(%dma_wait3A_247 : memref<20000x128xf32, #tpu.memory_space<hbm>>) dst(%arg15 : memref<128x128xf32, #tpu.memory_space<vmem>>)
      %dma_start3A_248 = arith.constant 1 : i32
      %dma_start3A_249 = arith.constant 0 : i32
      %dma_start3A_250 = tpu.memref_slice %arg12[%dma_start3A_248, %dma_start3A_249] : memref<2x128xi32, #tpu.memory_space<vmem>> -> memref<1x128xi32, #tpu.memory_space<vmem>>
      %dma_start3A_251 = tpu.memref_squeeze %dma_start3A_250 : memref<1x128xi32, #tpu.memory_space<vmem>> -> memref<128xi32, #tpu.memory_space<vmem>>
      %dma_start3A_252 = arith.constant 0 : i32
      %dma_start3A_253 = arith.constant 0 : i32
      %dma_start3A_254 = tpu.memref_slice %arg16[%dma_start3A_252, %dma_start3A_253] : memref<10048x128xf32, #tpu.memory_space<vmem_shared>> -> memref<10048x128xf32, #tpu.memory_space<vmem_shared>>
      tpu.enqueue_indirect_dma source(%arg15 : memref<128x128xf32, #tpu.memory_space<vmem>>) target(%dma_start3A_254 : memref<10048x128xf32, #tpu.memory_space<vmem_shared>>) offsets(%dma_start3A_251 : memref<128xi32, #tpu.memory_space<vmem>>) semaphore(%arg22 : memref<!tpu.dma_semaphore, #tpu.memory_space<semaphore_mem>>) {add = true}
    }
    %scan3A_17 = arith.constant 20 : i32
    %dma_wait3A = arith.constant 0 : i32
    %dma_wait3A_18 = arith.constant 0 : i32
    %dma_wait3A_19 = tpu.memref_slice %arg12[%dma_wait3A, %dma_wait3A_18] : memref<2x128xi32, #tpu.memory_space<vmem>> -> memref<1x128xi32, #tpu.memory_space<vmem>>
    %dma_wait3A_20 = tpu.memref_squeeze %dma_wait3A_19 : memref<1x128xi32, #tpu.memory_space<vmem>> -> memref<128xi32, #tpu.memory_space<vmem>>
    %dma_wait3A_21 = arith.constant 0 : i32
    %dma_wait3A_22 = arith.constant 0 : i32
    %dma_wait3A_23 = tpu.memref_slice %arg16[%dma_wait3A_21, %dma_wait3A_22] : memref<10048x128xf32, #tpu.memory_space<vmem_shared>> -> memref<10048x128xf32, #tpu.memory_space<vmem_shared>>
    tpu.wait_indirect_dma semaphore(%arg21 : memref<!tpu.dma_semaphore, #tpu.memory_space<semaphore_mem>>) src(%arg14 : memref<128x128xf32, #tpu.memory_space<vmem>>) dst(%dma_wait3A_23 : memref<10048x128xf32, #tpu.memory_space<vmem_shared>>)
    %dma_wait3A_24 = arith.constant 1 : i32
    %dma_wait3A_25 = arith.constant 0 : i32
    %dma_wait3A_26 = tpu.memref_slice %arg12[%dma_wait3A_24, %dma_wait3A_25] : memref<2x128xi32, #tpu.memory_space<vmem>> -> memref<1x128xi32, #tpu.memory_space<vmem>>
    %dma_wait3A_27 = tpu.memref_squeeze %dma_wait3A_26 : memref<1x128xi32, #tpu.memory_space<vmem>> -> memref<128xi32, #tpu.memory_space<vmem>>
    %dma_wait3A_28 = arith.constant 0 : i32
    %dma_wait3A_29 = arith.constant 0 : i32
    %dma_wait3A_30 = tpu.memref_slice %arg16[%dma_wait3A_28, %dma_wait3A_29] : memref<10048x128xf32, #tpu.memory_space<vmem_shared>> -> memref<10048x128xf32, #tpu.memory_space<vmem_shared>>
    tpu.wait_indirect_dma semaphore(%arg22 : memref<!tpu.dma_semaphore, #tpu.memory_space<semaphore_mem>>) src(%arg15 : memref<128x128xf32, #tpu.memory_space<vmem>>) dst(%dma_wait3A_30 : memref<10048x128xf32, #tpu.memory_space<vmem_shared>>)
    %barrier3A_31 = arith.constant 0 : index
    tpu.barrier barrier_id(%barrier3A_31)
    %scan3A_32 = arith.constant 0 : i32
    %scan3A_33 = arith.constant 16 : i32
    %scan3A_34 = arith.addi %scan3A_32, %scan3A_33 : i32
    %scan3A_35 = arith.constant 1 : i32
    scf.for %scan3A_80 = %scan3A_32 to %scan3A_34 step %scan3A_35  : i32 {
      %mul3A_81 = arith.constant 1 : i32
      %mul3A_82 = arith.muli %scan3A_80, %mul3A_81 : i32
      %add3A_83 = arith.constant 0 : i32
      %add3A_84 = arith.addi %add3A_83, %mul3A_82 : i32
      %mul3A_85 = arith.constant 16 : i32
      %mul3A_86 = arith.muli %add3A_84, %mul3A_85 : i32
      %add3A_87 = arith.addi %mul3A_86, %arg1 : i32
      %lt3A = arith.constant 250 : i32
      %lt3A_88 = arith.cmpi slt, %add3A_87, %lt3A : i32
      %convert_element_type3A = arith.extui %lt3A_88 : i1 to i32
      %cond3A = arith.constant 0 : i32
      %cond3A_89 = arith.cmpi ne, %convert_element_type3A, %cond3A : i32
      scf.if %cond3A_89 {
        %mul3A_90 = arith.constant 40 : i32
        %mul3A_91 = arith.muli %add3A_87, %mul3A_90 : i32
        %eq3A = arith.constant 0 : i32
        %eq3A_92 = arith.cmpi eq, %arg0, %eq3A : i32
        %convert_element_type3A_93 = arith.extui %eq3A_92 : i1 to i32
        %cond3A_94 = arith.constant 0 : i32
        %cond3A_95 = arith.cmpi ne, %convert_element_type3A_93, %cond3A_94 : i32
        scf.if %cond3A_95 {
          "tpu.region"() ({
            %run_scoped3A = tpu.sem_alloc : memref<!tpu.dma_semaphore, #tpu.memory_space<semaphore_mem>>
            %dma_start3A_101 = arith.constant 0 : i32
            %dma_start3A_102 = tpu.memref_slice %arg6[%mul3A_91, %dma_start3A_101] : memref<10000x128xf32, #tpu.memory_space<hbm>> -> memref<40x128xf32, #tpu.memory_space<hbm>>
            %dma_start3A_103 = arith.constant 0 : i32
            %dma_start3A_104 = tpu.memref_slice %arg16[%mul3A_91, %dma_start3A_103] : memref<10048x128xf32, #tpu.memory_space<vmem_shared>> -> memref<40x128xf32, #tpu.memory_space<vmem_shared>>
            tpu.enqueue_dma source(%dma_start3A_104 : memref<40x128xf32, #tpu.memory_space<vmem_shared>>) target(%dma_start3A_102 : memref<40x128xf32, #tpu.memory_space<hbm>>) target_semaphore(%run_scoped3A : memref<!tpu.dma_semaphore, #tpu.memory_space<semaphore_mem>>)
            %dma_wait3A_105 = arith.constant 0 : i32
            %dma_wait3A_106 = tpu.memref_slice %arg6[%mul3A_91, %dma_wait3A_105] : memref<10000x128xf32, #tpu.memory_space<hbm>> -> memref<40x128xf32, #tpu.memory_space<hbm>>
            %dma_wait3A_107 = arith.constant 0 : i32
            %dma_wait3A_108 = tpu.memref_slice %arg16[%mul3A_91, %dma_wait3A_107] : memref<10048x128xf32, #tpu.memory_space<vmem_shared>> -> memref<40x128xf32, #tpu.memory_space<vmem_shared>>
            tpu.wait_dma2 semaphore(%run_scoped3A : memref<!tpu.dma_semaphore, #tpu.memory_space<semaphore_mem>>) src(%dma_wait3A_108 : memref<40x128xf32, #tpu.memory_space<vmem_shared>>) dst(%dma_wait3A_106 : memref<40x128xf32, #tpu.memory_space<hbm>>)
            tpu.yield
          }) : () -> ()
        } else {
        }
        %eq3A_96 = arith.constant 1 : i32
        %eq3A_97 = arith.cmpi eq, %arg0, %eq3A_96 : i32
        %convert_element_type3A_98 = arith.extui %eq3A_97 : i1 to i32
        %cond3A_99 = arith.constant 0 : i32
        %cond3A_100 = arith.cmpi ne, %convert_element_type3A_98, %cond3A_99 : i32
        scf.if %cond3A_100 {
          "tpu.region"() ({
            %run_scoped3A = tpu.sem_alloc : memref<!tpu.dma_semaphore, #tpu.memory_space<semaphore_mem>>
            %dma_start3A_101 = arith.constant 0 : i32
            %dma_start3A_102 = tpu.memref_slice %arg7[%mul3A_91, %dma_start3A_101] : memref<10000x128xf32, #tpu.memory_space<hbm>> -> memref<40x128xf32, #tpu.memory_space<hbm>>
            %dma_start3A_103 = arith.constant 0 : i32
            %dma_start3A_104 = tpu.memref_slice %arg16[%mul3A_91, %dma_start3A_103] : memref<10048x128xf32, #tpu.memory_space<vmem_shared>> -> memref<40x128xf32, #tpu.memory_space<vmem_shared>>
            tpu.enqueue_dma source(%dma_start3A_104 : memref<40x128xf32, #tpu.memory_space<vmem_shared>>) target(%dma_start3A_102 : memref<40x128xf32, #tpu.memory_space<hbm>>) target_semaphore(%run_scoped3A : memref<!tpu.dma_semaphore, #tpu.memory_space<semaphore_mem>>)
            %dma_wait3A_105 = arith.constant 0 : i32
            %dma_wait3A_106 = tpu.memref_slice %arg7[%mul3A_91, %dma_wait3A_105] : memref<10000x128xf32, #tpu.memory_space<hbm>> -> memref<40x128xf32, #tpu.memory_space<hbm>>
            %dma_wait3A_107 = arith.constant 0 : i32
            %dma_wait3A_108 = tpu.memref_slice %arg16[%mul3A_91, %dma_wait3A_107] : memref<10048x128xf32, #tpu.memory_space<vmem_shared>> -> memref<40x128xf32, #tpu.memory_space<vmem_shared>>
            tpu.wait_dma2 semaphore(%run_scoped3A : memref<!tpu.dma_semaphore, #tpu.memory_space<semaphore_mem>>) src(%dma_wait3A_108 : memref<40x128xf32, #tpu.memory_space<vmem_shared>>) dst(%dma_wait3A_106 : memref<40x128xf32, #tpu.memory_space<hbm>>)
            tpu.yield
          }) : () -> ()
        } else {
        }
      } else {
      }
    }
    %scan3A_36 = arith.constant 16 : i32
    %barrier3A_37 = arith.constant 0 : index
    tpu.barrier barrier_id(%barrier3A_37)
    %scan3A_38 = arith.constant 0 : i32
    %scan3A_39 = arith.constant 79 : i32
    %scan3A_40 = arith.addi %scan3A_38, %scan3A_39 : i32
    %scan3A_41 = arith.constant 1 : i32
    scf.for %scan3A_80 = %scan3A_38 to %scan3A_40 step %scan3A_41  : i32 {
      %mul3A_81 = arith.constant 1 : i32
      %mul3A_82 = arith.muli %scan3A_80, %mul3A_81 : i32
      %add3A_83 = arith.constant 0 : i32
      %add3A_84 = arith.addi %add3A_83, %mul3A_82 : i32
      %mul3A_85 = arith.constant 16 : i32
      %mul3A_86 = arith.muli %add3A_84, %mul3A_85 : i32
      %add3A_87 = arith.addi %mul3A_86, %arg1 : i32
      %lt3A = arith.constant 1256 : i32
      %lt3A_88 = arith.cmpi slt, %add3A_87, %lt3A : i32
      %convert_element_type3A = arith.extui %lt3A_88 : i1 to i32
      %cond3A = arith.constant 0 : i32
      %cond3A_89 = arith.cmpi ne, %convert_element_type3A, %cond3A : i32
      scf.if %cond3A_89 {
        %mul3A_90 = arith.constant 8 : i32
        %mul3A_91 = arith.muli %add3A_87, %mul3A_90 : i32
        "tpu.region"() ({
          %run_scoped3A = tpu.sem_alloc : memref<!tpu.dma_semaphore, #tpu.memory_space<semaphore_mem>>
          %dma_start3A_92 = arith.constant 0 : i32
          %dma_start3A_93 = tpu.memref_slice %arg16[%mul3A_91, %dma_start3A_92] : memref<10048x128xf32, #tpu.memory_space<vmem_shared>> -> memref<8x128xf32, #tpu.memory_space<vmem_shared>>
          tpu.enqueue_dma source(%arg4 : memref<8x128xf32, #tpu.memory_space<hbm>>) target(%dma_start3A_93 : memref<8x128xf32, #tpu.memory_space<vmem_shared>>) target_semaphore(%run_scoped3A : memref<!tpu.dma_semaphore, #tpu.memory_space<semaphore_mem>>)
          %dma_wait3A_94 = arith.constant 0 : i32
          %dma_wait3A_95 = tpu.memref_slice %arg16[%mul3A_91, %dma_wait3A_94] : memref<10048x128xf32, #tpu.memory_space<vmem_shared>> -> memref<8x128xf32, #tpu.memory_space<vmem_shared>>
          tpu.wait_dma2 semaphore(%run_scoped3A : memref<!tpu.dma_semaphore, #tpu.memory_space<semaphore_mem>>) src(%arg4 : memref<8x128xf32, #tpu.memory_space<hbm>>) dst(%dma_wait3A_95 : memref<8x128xf32, #tpu.memory_space<vmem_shared>>)
          tpu.yield
        }) : () -> ()
      } else {
      }
    }
    %scan3A_42 = arith.constant 79 : i32
    "tpu.region"() ({
      %run_scoped3A = tpu.sem_alloc : memref<!tpu.dma_semaphore, #tpu.memory_space<semaphore_mem>>
      tpu.enqueue_dma source(%arg5 : memref<128x128xf32, #tpu.memory_space<hbm>>) target(%arg14 : memref<128x128xf32, #tpu.memory_space<vmem>>) target_semaphore(%run_scoped3A : memref<!tpu.dma_semaphore, #tpu.memory_space<semaphore_mem>>)
      tpu.wait_dma2 semaphore(%run_scoped3A : memref<!tpu.dma_semaphore, #tpu.memory_space<semaphore_mem>>) src(%arg5 : memref<128x128xf32, #tpu.memory_space<hbm>>) dst(%arg14 : memref<128x128xf32, #tpu.memory_space<vmem>>)
      tpu.yield
    }) : () -> ()
    %barrier3A_43 = arith.constant 0 : index
    tpu.barrier barrier_id(%barrier3A_43)
    %mul3A_44 = arith.constant 640 : i32
    %mul3A_45 = arith.muli %arg0, %mul3A_44 : i32
    %add3A_46 = arith.constant 1280 : i32
    %add3A_47 = arith.addi %add3A_46, %mul3A_45 : i32
    %mul3A_48 = arith.constant 40 : i32
    %mul3A_49 = arith.muli %arg1, %mul3A_48 : i32
    %add3A_50 = arith.addi %add3A_47, %mul3A_49 : i32
    %dma_start3A_51 = arith.constant 0 : i32
    %dma_start3A_52 = tpu.memref_slice %arg3[%add3A_50, %dma_start3A_51] : memref<2560x128xi32, #tpu.memory_space<hbm>> -> memref<2x128xi32, #tpu.memory_space<hbm>>
    %dma_start3A_53 = arith.constant 0 : i32
    %dma_start3A_54 = tpu.memref_slice %arg3[%add3A_50, %dma_start3A_53] : memref<2560x128xi32, #tpu.memory_space<hbm>> -> memref<2x128xi32, #tpu.memory_space<hbm>>
    tpu.enqueue_dma source(%dma_start3A_54 : memref<2x128xi32, #tpu.memory_space<hbm>>) target(%arg10 : memref<2x128xi32, #tpu.memory_space<vmem>>) target_semaphore(%arg17 : memref<!tpu.dma_semaphore, #tpu.memory_space<semaphore_mem>>)
    %scan3A_55 = arith.constant 0 : i32
    %scan3A_56 = arith.constant 10 : i32
    %scan3A_57 = arith.addi %scan3A_55, %scan3A_56 : i32
    %scan3A_58 = arith.constant 1 : i32
    scf.for %scan3A_80 = %scan3A_55 to %scan3A_57 step %scan3A_58  : i32 {
      %mul3A_81 = arith.constant 1 : i32
      %mul3A_82 = arith.muli %scan3A_80, %mul3A_81 : i32
      %add3A_83 = arith.constant 0 : i32
      %add3A_84 = arith.addi %add3A_83, %mul3A_82 : i32
      %mul3A_85 = arith.constant 4 : i32
      %mul3A_86 = arith.muli %add3A_84, %mul3A_85 : i32
      %add3A_87 = arith.addi %add3A_50, %mul3A_86 : i32
      %dma_wait3A_88 = arith.constant 0 : i32
      %dma_wait3A_89 = arith.constant 0 : i32
      %dma_wait3A_90 = tpu.memref_slice %arg3[%dma_wait3A_88, %dma_wait3A_89] : memref<2560x128xi32, #tpu.memory_space<hbm>> -> memref<2x128xi32, #tpu.memory_space<hbm>>
      %dma_wait3A_91 = arith.constant 0 : i32
      %dma_wait3A_92 = arith.constant 0 : i32
      %dma_wait3A_93 = tpu.memref_slice %arg3[%dma_wait3A_91, %dma_wait3A_92] : memref<2560x128xi32, #tpu.memory_space<hbm>> -> memref<2x128xi32, #tpu.memory_space<hbm>>
      tpu.wait_dma2 semaphore(%arg17 : memref<!tpu.dma_semaphore, #tpu.memory_space<semaphore_mem>>) src(%dma_wait3A_93 : memref<2x128xi32, #tpu.memory_space<hbm>>) dst(%arg10 : memref<2x128xi32, #tpu.memory_space<vmem>>)
      %gt3A = arith.constant 0 : i32
      %gt3A_94 = arith.cmpi sgt, %add3A_84, %gt3A : i32
      %convert_element_type3A = arith.extui %gt3A_94 : i1 to i32
      %cond3A = arith.constant 0 : i32
      %cond3A_95 = arith.cmpi ne, %convert_element_type3A, %cond3A : i32
      scf.if %cond3A_95 {
        %dma_wait3A_161 = arith.constant 0 : i32
        %dma_wait3A_162 = arith.constant 0 : i32
        %dma_wait3A_163 = tpu.memref_slice %arg12[%dma_wait3A_161, %dma_wait3A_162] : memref<2x128xi32, #tpu.memory_space<vmem>> -> memref<1x128xi32, #tpu.memory_space<vmem>>
        %dma_wait3A_164 = tpu.memref_squeeze %dma_wait3A_163 : memref<1x128xi32, #tpu.memory_space<vmem>> -> memref<128xi32, #tpu.memory_space<vmem>>
        %dma_wait3A_165 = arith.constant 0 : i32
        %dma_wait3A_166 = arith.constant 0 : i32
        %dma_wait3A_167 = tpu.memref_slice %arg16[%dma_wait3A_165, %dma_wait3A_166] : memref<10048x128xf32, #tpu.memory_space<vmem_shared>> -> memref<10048x128xf32, #tpu.memory_space<vmem_shared>>
        tpu.wait_indirect_dma semaphore(%arg21 : memref<!tpu.dma_semaphore, #tpu.memory_space<semaphore_mem>>) src(%arg14 : memref<128x128xf32, #tpu.memory_space<vmem>>) dst(%dma_wait3A_167 : memref<10048x128xf32, #tpu.memory_space<vmem_shared>>)
      } else {
      }
      %gt3A_96 = arith.constant 0 : i32
      %gt3A_97 = arith.cmpi sgt, %add3A_84, %gt3A_96 : i32
      %convert_element_type3A_98 = arith.extui %gt3A_97 : i1 to i32
      %cond3A_99 = arith.constant 0 : i32
      %cond3A_100 = arith.cmpi ne, %convert_element_type3A_98, %cond3A_99 : i32
      scf.if %cond3A_100 {
        %dma_wait3A_161 = arith.constant 1 : i32
        %dma_wait3A_162 = arith.constant 0 : i32
        %dma_wait3A_163 = tpu.memref_slice %arg12[%dma_wait3A_161, %dma_wait3A_162] : memref<2x128xi32, #tpu.memory_space<vmem>> -> memref<1x128xi32, #tpu.memory_space<vmem>>
        %dma_wait3A_164 = tpu.memref_squeeze %dma_wait3A_163 : memref<1x128xi32, #tpu.memory_space<vmem>> -> memref<128xi32, #tpu.memory_space<vmem>>
        %dma_wait3A_165 = arith.constant 0 : i32
        %dma_wait3A_166 = arith.constant 0 : i32
        %dma_wait3A_167 = tpu.memref_slice %arg16[%dma_wait3A_165, %dma_wait3A_166] : memref<10048x128xf32, #tpu.memory_space<vmem_shared>> -> memref<10048x128xf32, #tpu.memory_space<vmem_shared>>
        tpu.wait_indirect_dma semaphore(%arg22 : memref<!tpu.dma_semaphore, #tpu.memory_space<semaphore_mem>>) src(%arg14 : memref<128x128xf32, #tpu.memory_space<vmem>>) dst(%dma_wait3A_167 : memref<10048x128xf32, #tpu.memory_space<vmem_shared>>)
      } else {
      }
      %dma_start3A_101 = arith.constant 0 : i32
      %dma_start3A_102 = arith.constant 0 : i32
      %dma_start3A_103 = tpu.memref_slice %arg10[%dma_start3A_101, %dma_start3A_102] : memref<2x128xi32, #tpu.memory_space<vmem>> -> memref<1x128xi32, #tpu.memory_space<vmem>>
      %dma_start3A_104 = tpu.memref_squeeze %dma_start3A_103 : memref<1x128xi32, #tpu.memory_space<vmem>> -> memref<128xi32, #tpu.memory_space<vmem>>
      %dma_start3A_105 = arith.constant 0 : i32
      %dma_start3A_106 = arith.constant 0 : i32
      %dma_start3A_107 = tpu.memref_slice %arg16[%dma_start3A_105, %dma_start3A_106] : memref<10048x128xf32, #tpu.memory_space<vmem_shared>> -> memref<10048x128xf32, #tpu.memory_space<vmem_shared>>
      tpu.enqueue_indirect_dma source(%arg14 : memref<128x128xf32, #tpu.memory_space<vmem>>) target(%dma_start3A_107 : memref<10048x128xf32, #tpu.memory_space<vmem_shared>>) offsets(%dma_start3A_104 : memref<128xi32, #tpu.memory_space<vmem>>) semaphore(%arg21 : memref<!tpu.dma_semaphore, #tpu.memory_space<semaphore_mem>>) {add = true}
      %dma_start3A_108 = arith.constant 1 : i32
      %dma_start3A_109 = arith.constant 0 : i32
      %dma_start3A_110 = tpu.memref_slice %arg10[%dma_start3A_108, %dma_start3A_109] : memref<2x128xi32, #tpu.memory_space<vmem>> -> memref<1x128xi32, #tpu.memory_space<vmem>>
      %dma_start3A_111 = tpu.memref_squeeze %dma_start3A_110 : memref<1x128xi32, #tpu.memory_space<vmem>> -> memref<128xi32, #tpu.memory_space<vmem>>
      %dma_start3A_112 = arith.constant 0 : i32
      %dma_start3A_113 = arith.constant 0 : i32
      %dma_start3A_114 = tpu.memref_slice %arg16[%dma_start3A_112, %dma_start3A_113] : memref<10048x128xf32, #tpu.memory_space<vmem_shared>> -> memref<10048x128xf32, #tpu.memory_space<vmem_shared>>
      tpu.enqueue_indirect_dma source(%arg14 : memref<128x128xf32, #tpu.memory_space<vmem>>) target(%dma_start3A_114 : memref<10048x128xf32, #tpu.memory_space<vmem_shared>>) offsets(%dma_start3A_111 : memref<128xi32, #tpu.memory_space<vmem>>) semaphore(%arg22 : memref<!tpu.dma_semaphore, #tpu.memory_space<semaphore_mem>>) {add = true}
      %add3A_115 = arith.constant 2 : i32
      %add3A_116 = arith.addi %add3A_87, %add3A_115 : i32
      %dma_start3A_117 = arith.constant 0 : i32
      %dma_start3A_118 = tpu.memref_slice %arg3[%add3A_116, %dma_start3A_117] : memref<2560x128xi32, #tpu.memory_space<hbm>> -> memref<2x128xi32, #tpu.memory_space<hbm>>
      %dma_start3A_119 = arith.constant 0 : i32
      %dma_start3A_120 = tpu.memref_slice %arg3[%add3A_116, %dma_start3A_119] : memref<2560x128xi32, #tpu.memory_space<hbm>> -> memref<2x128xi32, #tpu.memory_space<hbm>>
      tpu.enqueue_dma source(%dma_start3A_120 : memref<2x128xi32, #tpu.memory_space<hbm>>) target(%arg12 : memref<2x128xi32, #tpu.memory_space<vmem>>) target_semaphore(%arg18 : memref<!tpu.dma_semaphore, #tpu.memory_space<semaphore_mem>>)
      %dma_wait3A_121 = arith.constant 0 : i32
      %dma_wait3A_122 = arith.constant 0 : i32
      %dma_wait3A_123 = tpu.memref_slice %arg3[%dma_wait3A_121, %dma_wait3A_122] : memref<2560x128xi32, #tpu.memory_space<hbm>> -> memref<2x128xi32, #tpu.memory_space<hbm>>
      %dma_wait3A_124 = arith.constant 0 : i32
      %dma_wait3A_125 = arith.constant 0 : i32
      %dma_wait3A_126 = tpu.memref_slice %arg3[%dma_wait3A_124, %dma_wait3A_125] : memref<2560x128xi32, #tpu.memory_space<hbm>> -> memref<2x128xi32, #tpu.memory_space<hbm>>
      tpu.wait_dma2 semaphore(%arg18 : memref<!tpu.dma_semaphore, #tpu.memory_space<semaphore_mem>>) src(%dma_wait3A_126 : memref<2x128xi32, #tpu.memory_space<hbm>>) dst(%arg12 : memref<2x128xi32, #tpu.memory_space<vmem>>)
      %dma_wait3A_127 = arith.constant 0 : i32
      %dma_wait3A_128 = arith.constant 0 : i32
      %dma_wait3A_129 = tpu.memref_slice %arg10[%dma_wait3A_127, %dma_wait3A_128] : memref<2x128xi32, #tpu.memory_space<vmem>> -> memref<1x128xi32, #tpu.memory_space<vmem>>
      %dma_wait3A_130 = tpu.memref_squeeze %dma_wait3A_129 : memref<1x128xi32, #tpu.memory_space<vmem>> -> memref<128xi32, #tpu.memory_space<vmem>>
      %dma_wait3A_131 = arith.constant 0 : i32
      %dma_wait3A_132 = arith.constant 0 : i32
      %dma_wait3A_133 = tpu.memref_slice %arg16[%dma_wait3A_131, %dma_wait3A_132] : memref<10048x128xf32, #tpu.memory_space<vmem_shared>> -> memref<10048x128xf32, #tpu.memory_space<vmem_shared>>
      tpu.wait_indirect_dma semaphore(%arg21 : memref<!tpu.dma_semaphore, #tpu.memory_space<semaphore_mem>>) src(%arg14 : memref<128x128xf32, #tpu.memory_space<vmem>>) dst(%dma_wait3A_133 : memref<10048x128xf32, #tpu.memory_space<vmem_shared>>)
      %dma_wait3A_134 = arith.constant 1 : i32
      %dma_wait3A_135 = arith.constant 0 : i32
      %dma_wait3A_136 = tpu.memref_slice %arg10[%dma_wait3A_134, %dma_wait3A_135] : memref<2x128xi32, #tpu.memory_space<vmem>> -> memref<1x128xi32, #tpu.memory_space<vmem>>
      %dma_wait3A_137 = tpu.memref_squeeze %dma_wait3A_136 : memref<1x128xi32, #tpu.memory_space<vmem>> -> memref<128xi32, #tpu.memory_space<vmem>>
      %dma_wait3A_138 = arith.constant 0 : i32
      %dma_wait3A_139 = arith.constant 0 : i32
      %dma_wait3A_140 = tpu.memref_slice %arg16[%dma_wait3A_138, %dma_wait3A_139] : memref<10048x128xf32, #tpu.memory_space<vmem_shared>> -> memref<10048x128xf32, #tpu.memory_space<vmem_shared>>
      tpu.wait_indirect_dma semaphore(%arg22 : memref<!tpu.dma_semaphore, #tpu.memory_space<semaphore_mem>>) src(%arg14 : memref<128x128xf32, #tpu.memory_space<vmem>>) dst(%dma_wait3A_140 : memref<10048x128xf32, #tpu.memory_space<vmem_shared>>)
      %dma_start3A_141 = arith.constant 0 : i32
      %dma_start3A_142 = arith.constant 0 : i32
      %dma_start3A_143 = tpu.memref_slice %arg12[%dma_start3A_141, %dma_start3A_142] : memref<2x128xi32, #tpu.memory_space<vmem>> -> memref<1x128xi32, #tpu.memory_space<vmem>>
      %dma_start3A_144 = tpu.memref_squeeze %dma_start3A_143 : memref<1x128xi32, #tpu.memory_space<vmem>> -> memref<128xi32, #tpu.memory_space<vmem>>
      %dma_start3A_145 = arith.constant 0 : i32
      %dma_start3A_146 = arith.constant 0 : i32
      %dma_start3A_147 = tpu.memref_slice %arg16[%dma_start3A_145, %dma_start3A_146] : memref<10048x128xf32, #tpu.memory_space<vmem_shared>> -> memref<10048x128xf32, #tpu.memory_space<vmem_shared>>
      tpu.enqueue_indirect_dma source(%arg14 : memref<128x128xf32, #tpu.memory_space<vmem>>) target(%dma_start3A_147 : memref<10048x128xf32, #tpu.memory_space<vmem_shared>>) offsets(%dma_start3A_144 : memref<128xi32, #tpu.memory_space<vmem>>) semaphore(%arg21 : memref<!tpu.dma_semaphore, #tpu.memory_space<semaphore_mem>>) {add = true}
      %dma_start3A_148 = arith.constant 1 : i32
      %dma_start3A_149 = arith.constant 0 : i32
      %dma_start3A_150 = tpu.memref_slice %arg12[%dma_start3A_148, %dma_start3A_149] : memref<2x128xi32, #tpu.memory_space<vmem>> -> memref<1x128xi32, #tpu.memory_space<vmem>>
      %dma_start3A_151 = tpu.memref_squeeze %dma_start3A_150 : memref<1x128xi32, #tpu.memory_space<vmem>> -> memref<128xi32, #tpu.memory_space<vmem>>
      %dma_start3A_152 = arith.constant 0 : i32
      %dma_start3A_153 = arith.constant 0 : i32
      %dma_start3A_154 = tpu.memref_slice %arg16[%dma_start3A_152, %dma_start3A_153] : memref<10048x128xf32, #tpu.memory_space<vmem_shared>> -> memref<10048x128xf32, #tpu.memory_space<vmem_shared>>
      tpu.enqueue_indirect_dma source(%arg14 : memref<128x128xf32, #tpu.memory_space<vmem>>) target(%dma_start3A_154 : memref<10048x128xf32, #tpu.memory_space<vmem_shared>>) offsets(%dma_start3A_151 : memref<128xi32, #tpu.memory_space<vmem>>) semaphore(%arg22 : memref<!tpu.dma_semaphore, #tpu.memory_space<semaphore_mem>>) {add = true}
      %add3A_155 = arith.constant 1 : i32
      %add3A_156 = arith.addi %add3A_84, %add3A_155 : i32
      %lt3A = arith.constant 10 : i32
      %lt3A_157 = arith.cmpi slt, %add3A_156, %lt3A : i32
      %convert_element_type3A_158 = arith.extui %lt3A_157 : i1 to i32
      %cond3A_159 = arith.constant 0 : i32
      %cond3A_160 = arith.cmpi ne, %convert_element_type3A_158, %cond3A_159 : i32
      scf.if %cond3A_160 {
        %add3A_161 = arith.constant 4 : i32
        %add3A_162 = arith.addi %add3A_87, %add3A_161 : i32
        %dma_start3A_163 = arith.constant 0 : i32
        %dma_start3A_164 = tpu.memref_slice %arg3[%add3A_162, %dma_start3A_163] : memref<2560x128xi32, #tpu.memory_space<hbm>> -> memref<2x128xi32, #tpu.memory_space<hbm>>
        %dma_start3A_165 = arith.constant 0 : i32
        %dma_start3A_166 = tpu.memref_slice %arg3[%add3A_162, %dma_start3A_165] : memref<2560x128xi32, #tpu.memory_space<hbm>> -> memref<2x128xi32, #tpu.memory_space<hbm>>
        tpu.enqueue_dma source(%dma_start3A_166 : memref<2x128xi32, #tpu.memory_space<hbm>>) target(%arg10 : memref<2x128xi32, #tpu.memory_space<vmem>>) target_semaphore(%arg17 : memref<!tpu.dma_semaphore, #tpu.memory_space<semaphore_mem>>)
      } else {
      }
    }
    %scan3A_59 = arith.constant 10 : i32
    %dma_wait3A_60 = arith.constant 0 : i32
    %dma_wait3A_61 = arith.constant 0 : i32
    %dma_wait3A_62 = tpu.memref_slice %arg12[%dma_wait3A_60, %dma_wait3A_61] : memref<2x128xi32, #tpu.memory_space<vmem>> -> memref<1x128xi32, #tpu.memory_space<vmem>>
    %dma_wait3A_63 = tpu.memref_squeeze %dma_wait3A_62 : memref<1x128xi32, #tpu.memory_space<vmem>> -> memref<128xi32, #tpu.memory_space<vmem>>
    %dma_wait3A_64 = arith.constant 0 : i32
    %dma_wait3A_65 = arith.constant 0 : i32
    %dma_wait3A_66 = tpu.memref_slice %arg16[%dma_wait3A_64, %dma_wait3A_65] : memref<10048x128xf32, #tpu.memory_space<vmem_shared>> -> memref<10048x128xf32, #tpu.memory_space<vmem_shared>>
    tpu.wait_indirect_dma semaphore(%arg21 : memref<!tpu.dma_semaphore, #tpu.memory_space<semaphore_mem>>) src(%arg14 : memref<128x128xf32, #tpu.memory_space<vmem>>) dst(%dma_wait3A_66 : memref<10048x128xf32, #tpu.memory_space<vmem_shared>>)
    %dma_wait3A_67 = arith.constant 1 : i32
    %dma_wait3A_68 = arith.constant 0 : i32
    %dma_wait3A_69 = tpu.memref_slice %arg12[%dma_wait3A_67, %dma_wait3A_68] : memref<2x128xi32, #tpu.memory_space<vmem>> -> memref<1x128xi32, #tpu.memory_space<vmem>>
    %dma_wait3A_70 = tpu.memref_squeeze %dma_wait3A_69 : memref<1x128xi32, #tpu.memory_space<vmem>> -> memref<128xi32, #tpu.memory_space<vmem>>
    %dma_wait3A_71 = arith.constant 0 : i32
    %dma_wait3A_72 = arith.constant 0 : i32
    %dma_wait3A_73 = tpu.memref_slice %arg16[%dma_wait3A_71, %dma_wait3A_72] : memref<10048x128xf32, #tpu.memory_space<vmem_shared>> -> memref<10048x128xf32, #tpu.memory_space<vmem_shared>>
    tpu.wait_indirect_dma semaphore(%arg22 : memref<!tpu.dma_semaphore, #tpu.memory_space<semaphore_mem>>) src(%arg14 : memref<128x128xf32, #tpu.memory_space<vmem>>) dst(%dma_wait3A_73 : memref<10048x128xf32, #tpu.memory_space<vmem_shared>>)
    %barrier3A_74 = arith.constant 0 : index
    tpu.barrier barrier_id(%barrier3A_74)
    %scan3A_75 = arith.constant 0 : i32
    %scan3A_76 = arith.constant 16 : i32
    %scan3A_77 = arith.addi %scan3A_75, %scan3A_76 : i32
    %scan3A_78 = arith.constant 1 : i32
    scf.for %scan3A_80 = %scan3A_75 to %scan3A_77 step %scan3A_78  : i32 {
      %mul3A_81 = arith.constant 1 : i32
      %mul3A_82 = arith.muli %scan3A_80, %mul3A_81 : i32
      %add3A_83 = arith.constant 0 : i32
      %add3A_84 = arith.addi %add3A_83, %mul3A_82 : i32
      %mul3A_85 = arith.constant 16 : i32
      %mul3A_86 = arith.muli %add3A_84, %mul3A_85 : i32
      %add3A_87 = arith.addi %mul3A_86, %arg1 : i32
      %lt3A = arith.constant 250 : i32
      %lt3A_88 = arith.cmpi slt, %add3A_87, %lt3A : i32
      %convert_element_type3A = arith.extui %lt3A_88 : i1 to i32
      %cond3A = arith.constant 0 : i32
      %cond3A_89 = arith.cmpi ne, %convert_element_type3A, %cond3A : i32
      scf.if %cond3A_89 {
        %mul3A_90 = arith.constant 40 : i32
        %mul3A_91 = arith.muli %add3A_87, %mul3A_90 : i32
        "tpu.region"() ({
          %run_scoped3A = tpu.sem_alloc : memref<!tpu.dma_semaphore, #tpu.memory_space<semaphore_mem>>
          %dma_start3A_92 = arith.constant 0 : i32
          %dma_start3A_93 = tpu.memref_slice %arg8[%arg0, %mul3A_91, %dma_start3A_92] : memref<2x10000x128xf32, #tpu.memory_space<hbm>> -> memref<1x40x128xf32, #tpu.memory_space<hbm>>
          %dma_start3A_94 = tpu.memref_squeeze %dma_start3A_93 : memref<1x40x128xf32, #tpu.memory_space<hbm>> -> memref<40x128xf32, #tpu.memory_space<hbm>>
          %dma_start3A_95 = arith.constant 0 : i32
          %dma_start3A_96 = tpu.memref_slice %arg16[%mul3A_91, %dma_start3A_95] : memref<10048x128xf32, #tpu.memory_space<vmem_shared>> -> memref<40x128xf32, #tpu.memory_space<vmem_shared>>
          tpu.enqueue_dma source(%dma_start3A_96 : memref<40x128xf32, #tpu.memory_space<vmem_shared>>) target(%dma_start3A_94 : memref<40x128xf32, #tpu.memory_space<hbm>>) target_semaphore(%run_scoped3A : memref<!tpu.dma_semaphore, #tpu.memory_space<semaphore_mem>>)
          %dma_wait3A_97 = arith.constant 0 : i32
          %dma_wait3A_98 = tpu.memref_slice %arg8[%arg0, %mul3A_91, %dma_wait3A_97] : memref<2x10000x128xf32, #tpu.memory_space<hbm>> -> memref<1x40x128xf32, #tpu.memory_space<hbm>>
          %dma_wait3A_99 = tpu.memref_squeeze %dma_wait3A_98 : memref<1x40x128xf32, #tpu.memory_space<hbm>> -> memref<40x128xf32, #tpu.memory_space<hbm>>
          %dma_wait3A_100 = arith.constant 0 : i32
          %dma_wait3A_101 = tpu.memref_slice %arg16[%mul3A_91, %dma_wait3A_100] : memref<10048x128xf32, #tpu.memory_space<vmem_shared>> -> memref<40x128xf32, #tpu.memory_space<vmem_shared>>
          tpu.wait_dma2 semaphore(%run_scoped3A : memref<!tpu.dma_semaphore, #tpu.memory_space<semaphore_mem>>) src(%dma_wait3A_101 : memref<40x128xf32, #tpu.memory_space<vmem_shared>>) dst(%dma_wait3A_99 : memref<40x128xf32, #tpu.memory_space<hbm>>)
          tpu.yield
        }) : () -> ()
      } else {
      }
    }
    %scan3A_79 = arith.constant 16 : i32
    return
  }
}

module attributes {stable_mosaic.version = 14 : i64} {
  func.func @_tc2_body(%arg0: i32, %arg1: memref<1000x256xf32, #tpu.memory_space<vmem>>, %arg2: memref<1x256xf32, #tpu.memory_space<vmem>>, %arg3: memref<1x256xf32, #tpu.memory_space<vmem>>, %arg4: memref<1x256xf32, #tpu.memory_space<vmem>>, %arg5: memref<1x256xf32, #tpu.memory_space<vmem>>, %arg6: memref<256x256xf32, #tpu.memory_space<vmem>>, %arg7: memref<1x256xf32, #tpu.memory_space<vmem>>, %arg8: memref<256x256xf32, #tpu.memory_space<vmem>>, %arg9: memref<1x256xf32, #tpu.memory_space<vmem>>, %arg10: memref<1000x256xf32, #tpu.memory_space<vmem>>, %arg11: memref<1x256xf32, #tpu.memory_space<vmem>>, %arg12: memref<1x256xf32, #tpu.memory_space<vmem>>) attributes {dimension_semantics = [#tpu.dimension_semantics<arbitrary>], iteration_bounds = array<i64: 10>, scalar_prefetch = 0 : i64, scratch_operands = 0 : i64, tpu.core_type = #tpu.core_type<tc>, window_params = [{transform_indices = @transform_0, window_bounds = array<i64: 1000, 256>}, {pipeline_mode = #tpu.pipeline_mode<synchronous>, transform_indices = @transform_1, window_bounds = array<i64: 1, 256>}, {pipeline_mode = #tpu.pipeline_mode<synchronous>, transform_indices = @transform_2, window_bounds = array<i64: 1, 256>}, {pipeline_mode = #tpu.pipeline_mode<synchronous>, transform_indices = @transform_3, window_bounds = array<i64: 1, 256>}, {pipeline_mode = #tpu.pipeline_mode<synchronous>, transform_indices = @transform_4, window_bounds = array<i64: 1, 256>}, {pipeline_mode = #tpu.pipeline_mode<synchronous>, transform_indices = @transform_5, window_bounds = array<i64: 256, 256>}, {pipeline_mode = #tpu.pipeline_mode<synchronous>, transform_indices = @transform_6, window_bounds = array<i64: 1, 256>}, {pipeline_mode = #tpu.pipeline_mode<synchronous>, transform_indices = @transform_7, window_bounds = array<i64: 256, 256>}, {pipeline_mode = #tpu.pipeline_mode<synchronous>, transform_indices = @transform_8, window_bounds = array<i64: 1, 256>}, {transform_indices = @transform_9, window_bounds = array<i64: 1000, 256>}, {pipeline_mode = #tpu.pipeline_mode<synchronous>, transform_indices = @transform_10, window_bounds = array<i64: 1, 256>}, {pipeline_mode = #tpu.pipeline_mode<synchronous>, transform_indices = @transform_11, window_bounds = array<i64: 1, 256>}]} {
    %get3A = arith.constant 0 : index
    %get3A_0 = arith.constant 0 : index
    %get3A_1 = vector.load %arg2[%get3A, %get3A_0] : memref<1x256xf32, #tpu.memory_space<vmem>>, vector<1x256xf32>
    %div3A = arith.constant 1.000000e+04 : f32
    %div3A_2 = vector.broadcast %div3A : f32 to vector<1x256xf32>
    %div3A_3 = arith.divf %get3A_1, %div3A_2 : vector<1x256xf32>
    %get3A_4 = arith.constant 0 : index
    %get3A_5 = arith.constant 0 : index
    %get3A_6 = vector.load %arg3[%get3A_4, %get3A_5] : memref<1x256xf32, #tpu.memory_space<vmem>>, vector<1x256xf32>
    %div3A_7 = arith.constant 1.000000e+04 : f32
    %div3A_8 = vector.broadcast %div3A_7 : f32 to vector<1x256xf32>
    %div3A_9 = arith.divf %get3A_6, %div3A_8 : vector<1x256xf32>
    %mul3A = arith.mulf %div3A_3, %div3A_3 : vector<1x256xf32>
    %sub3A = arith.subf %div3A_9, %mul3A : vector<1x256xf32>
    %add3A = arith.constant 9.99999974E-6 : f32
    %add3A_10 = vector.broadcast %add3A : f32 to vector<1x256xf32>
    %add3A_11 = arith.addf %sub3A, %add3A_10 : vector<1x256xf32>
    %rsqrt3A = math.rsqrt %add3A_11 : vector<1x256xf32>
    %get3A_12 = arith.constant 0 : index
    %get3A_13 = arith.constant 0 : index
    %get3A_14 = vector.load %arg1[%get3A_12, %get3A_13] : memref<1000x256xf32, #tpu.memory_space<vmem>>, vector<1000x256xf32>
    %sub3A_15 = vector.broadcast %div3A_3 : vector<1x256xf32> to vector<1000x256xf32>
    %sub3A_16 = arith.subf %get3A_14, %sub3A_15 : vector<1000x256xf32>
    %mul3A_17 = vector.broadcast %rsqrt3A : vector<1x256xf32> to vector<1000x256xf32>
    %mul3A_18 = arith.mulf %sub3A_16, %mul3A_17 : vector<1000x256xf32>
    %get3A_19 = arith.constant 0 : index
    %get3A_20 = arith.constant 0 : index
    %get3A_21 = vector.load %arg4[%get3A_19, %get3A_20] : memref<1x256xf32, #tpu.memory_space<vmem>>, vector<1x256xf32>
    %mul3A_22 = vector.broadcast %get3A_21 : vector<1x256xf32> to vector<1000x256xf32>
    %mul3A_23 = arith.mulf %mul3A_18, %mul3A_22 : vector<1000x256xf32>
    %get3A_24 = arith.constant 0 : index
    %get3A_25 = arith.constant 0 : index
    %get3A_26 = vector.load %arg5[%get3A_24, %get3A_25] : memref<1x256xf32, #tpu.memory_space<vmem>>, vector<1x256xf32>
    %add3A_27 = vector.broadcast %get3A_26 : vector<1x256xf32> to vector<1000x256xf32>
    %add3A_28 = arith.addf %mul3A_23, %add3A_27 : vector<1000x256xf32>
    %get3A_29 = arith.constant 0 : index
    %get3A_30 = arith.constant 0 : index
    %get3A_31 = vector.load %arg6[%get3A_29, %get3A_30] : memref<256x256xf32, #tpu.memory_space<vmem>>, vector<256x256xf32>
    %dot_general3A = arith.constant dense<0.000000e+00> : vector<1000x256xf32>
    %dot_general3A_32 = tpu.matmul %add3A_28, %get3A_31, %dot_general3A {dimension_numbers = #tpu.dot_dimension_numbers<[1], [0], [0], [1], [0, 0, 1, 1], [], []>, transpose_lhs_hint = false} : vector<1000x256xf32>, vector<256x256xf32>, vector<1000x256xf32> -> vector<1000x256xf32>
    %get3A_33 = arith.constant 0 : index
    %get3A_34 = arith.constant 0 : index
    %get3A_35 = vector.load %arg7[%get3A_33, %get3A_34] : memref<1x256xf32, #tpu.memory_space<vmem>>, vector<1x256xf32>
    %add3A_36 = vector.broadcast %get3A_35 : vector<1x256xf32> to vector<1000x256xf32>
    %add3A_37 = arith.addf %dot_general3A_32, %add3A_36 : vector<1000x256xf32>
    %max3A = arith.constant 0.000000e+00 : f32
    %max3A_38 = vector.broadcast %max3A : f32 to vector<1000x256xf32>
    %max3A_39 = arith.maximumf %add3A_37, %max3A_38 : vector<1000x256xf32>
    %get3A_40 = arith.constant 0 : index
    %get3A_41 = arith.constant 0 : index
    %get3A_42 = vector.load %arg8[%get3A_40, %get3A_41] : memref<256x256xf32, #tpu.memory_space<vmem>>, vector<256x256xf32>
    %dot_general3A_43 = arith.constant dense<0.000000e+00> : vector<1000x256xf32>
    %dot_general3A_44 = tpu.matmul %max3A_39, %get3A_42, %dot_general3A_43 {dimension_numbers = #tpu.dot_dimension_numbers<[1], [0], [0], [1], [0, 0, 1, 1], [], []>, transpose_lhs_hint = false} : vector<1000x256xf32>, vector<256x256xf32>, vector<1000x256xf32> -> vector<1000x256xf32>
    %get3A_45 = arith.constant 0 : index
    %get3A_46 = arith.constant 0 : index
    %get3A_47 = vector.load %arg9[%get3A_45, %get3A_46] : memref<1x256xf32, #tpu.memory_space<vmem>>, vector<1x256xf32>
    %add3A_48 = vector.broadcast %get3A_47 : vector<1x256xf32> to vector<1000x256xf32>
    %add3A_49 = arith.addf %dot_general3A_44, %add3A_48 : vector<1000x256xf32>
    %add3A_50 = arith.addf %add3A_49, %add3A_28 : vector<1000x256xf32>
    %swap3A = arith.constant 0 : index
    %swap3A_51 = arith.constant 0 : index
    %swap3A_52 = vector.load %arg10[%swap3A, %swap3A_51] : memref<1000x256xf32, #tpu.memory_space<vmem>>, vector<1000x256xf32>
    tpu.vector_store %arg10[%swap3A, %swap3A_51], %add3A_50 {strides = array<i32>} : memref<1000x256xf32, #tpu.memory_space<vmem>>, vector<1000x256xf32>,
    %eq3A = arith.constant 0 : i32
    %eq3A_53 = arith.cmpi eq, %arg0, %eq3A : i32
    %convert_element_type3A = arith.extui %eq3A_53 : i1 to i32
    %cond3A = arith.constant 0 : i32
    %cond3A_54 = arith.cmpi ne, %convert_element_type3A, %cond3A : i32
    scf.if %cond3A_54 {
      %broadcast_in_dim3A_74 = arith.constant 0.000000e+00 : f32
      %broadcast_in_dim3A_75 = vector.broadcast %broadcast_in_dim3A_74 : f32 to vector<1x256xf32>
      %swap3A_76 = arith.constant 0 : index
      %swap3A_77 = arith.constant 0 : index
      %swap3A_78 = vector.load %arg11[%swap3A_76, %swap3A_77] : memref<1x256xf32, #tpu.memory_space<vmem>>, vector<1x256xf32>
      tpu.vector_store %arg11[%swap3A_76, %swap3A_77], %broadcast_in_dim3A_75 {strides = array<i32>} : memref<1x256xf32, #tpu.memory_space<vmem>>, vector<1x256xf32>,
      %broadcast_in_dim3A_79 = arith.constant 0.000000e+00 : f32
      %broadcast_in_dim3A_80 = vector.broadcast %broadcast_in_dim3A_79 : f32 to vector<1x256xf32>
      %swap3A_81 = arith.constant 0 : index
      %swap3A_82 = arith.constant 0 : index
      %swap3A_83 = vector.load %arg12[%swap3A_81, %swap3A_82] : memref<1x256xf32, #tpu.memory_space<vmem>>, vector<1x256xf32>
      tpu.vector_store %arg12[%swap3A_81, %swap3A_82], %broadcast_in_dim3A_80 {strides = array<i32>} : memref<1x256xf32, #tpu.memory_space<vmem>>, vector<1x256xf32>,
    } else {
    }
    %get3A_55 = arith.constant 0 : index
    %get3A_56 = arith.constant 0 : index
    %get3A_57 = vector.load %arg11[%get3A_55, %get3A_56] : memref<1x256xf32, #tpu.memory_space<vmem>>, vector<1x256xf32>
    %reduce_sum3A = arith.constant dense<0.000000e+00> : vector<256xf32>
    %reduce_sum3A_58 = vector.multi_reduction <add>, %add3A_50, %reduce_sum3A [0] : vector<1000x256xf32> to vector<256xf32>
    %broadcast_in_dim3A = vector.shape_cast %reduce_sum3A_58 : vector<256xf32> to vector<1x256xf32>
    %add3A_59 = arith.addf %get3A_57, %broadcast_in_dim3A : vector<1x256xf32>
    %swap3A_60 = arith.constant 0 : index
    %swap3A_61 = arith.constant 0 : index
    %swap3A_62 = vector.load %arg11[%swap3A_60, %swap3A_61] : memref<1x256xf32, #tpu.memory_space<vmem>>, vector<1x256xf32>
    tpu.vector_store %arg11[%swap3A_60, %swap3A_61], %add3A_59 {strides = array<i32>} : memref<1x256xf32, #tpu.memory_space<vmem>>, vector<1x256xf32>,
    %get3A_63 = arith.constant 0 : index
    %get3A_64 = arith.constant 0 : index
    %get3A_65 = vector.load %arg12[%get3A_63, %get3A_64] : memref<1x256xf32, #tpu.memory_space<vmem>>, vector<1x256xf32>
    %mul3A_66 = arith.mulf %add3A_50, %add3A_50 : vector<1000x256xf32>
    %reduce_sum3A_67 = arith.constant dense<0.000000e+00> : vector<256xf32>
    %reduce_sum3A_68 = vector.multi_reduction <add>, %mul3A_66, %reduce_sum3A_67 [0] : vector<1000x256xf32> to vector<256xf32>
    %broadcast_in_dim3A_69 = vector.shape_cast %reduce_sum3A_68 : vector<256xf32> to vector<1x256xf32>
    %add3A_70 = arith.addf %get3A_65, %broadcast_in_dim3A_69 : vector<1x256xf32>
    %swap3A_71 = arith.constant 0 : index
    %swap3A_72 = arith.constant 0 : index
    %swap3A_73 = vector.load %arg12[%swap3A_71, %swap3A_72] : memref<1x256xf32, #tpu.memory_space<vmem>>, vector<1x256xf32>
    tpu.vector_store %arg12[%swap3A_71, %swap3A_72], %add3A_70 {strides = array<i32>} : memref<1x256xf32, #tpu.memory_space<vmem>>, vector<1x256xf32>,
    return
  }
  func.func @transform_0(%arg0: i32) -> (i32, i32) {
    %c0_i32 = arith.constant 0 : i32
    %c0_i32_0 = arith.constant 0 : i32
    return %arg0, %c0_i32 : i32, i32
  }
  func.func @transform_1(%arg0: i32) -> (i32, i32) {
    %c0_i32 = arith.constant 0 : i32
    %c0_i32_0 = arith.constant 0 : i32
    %c0_i32_1 = arith.constant 0 : i32
    return %c0_i32, %c0_i32_0 : i32, i32
  }
  func.func @transform_2(%arg0: i32) -> (i32, i32) {
    %c0_i32 = arith.constant 0 : i32
    %c0_i32_0 = arith.constant 0 : i32
    %c0_i32_1 = arith.constant 0 : i32
    return %c0_i32, %c0_i32_0 : i32, i32
  }
  func.func @transform_3(%arg0: i32) -> (i32, i32) {
    %c0_i32 = arith.constant 0 : i32
    %c0_i32_0 = arith.constant 0 : i32
    %c0_i32_1 = arith.constant 0 : i32
    return %c0_i32, %c0_i32_0 : i32, i32
  }
  func.func @transform_4(%arg0: i32) -> (i32, i32) {
    %c0_i32 = arith.constant 0 : i32
    %c0_i32_0 = arith.constant 0 : i32
    %c0_i32_1 = arith.constant 0 : i32
    return %c0_i32, %c0_i32_0 : i32, i32
  }
  func.func @transform_5(%arg0: i32) -> (i32, i32) {
    %c0_i32 = arith.constant 0 : i32
    %c0_i32_0 = arith.constant 0 : i32
    %c0_i32_1 = arith.constant 0 : i32
    return %c0_i32, %c0_i32_0 : i32, i32
  }
  func.func @transform_6(%arg0: i32) -> (i32, i32) {
    %c0_i32 = arith.constant 0 : i32
    %c0_i32_0 = arith.constant 0 : i32
    %c0_i32_1 = arith.constant 0 : i32
    return %c0_i32, %c0_i32_0 : i32, i32
  }
  func.func @transform_7(%arg0: i32) -> (i32, i32) {
    %c0_i32 = arith.constant 0 : i32
    %c0_i32_0 = arith.constant 0 : i32
    %c0_i32_1 = arith.constant 0 : i32
    return %c0_i32, %c0_i32_0 : i32, i32
  }
  func.func @transform_8(%arg0: i32) -> (i32, i32) {
    %c0_i32 = arith.constant 0 : i32
    %c0_i32_0 = arith.constant 0 : i32
    %c0_i32_1 = arith.constant 0 : i32
    return %c0_i32, %c0_i32_0 : i32, i32
  }
  func.func @transform_9(%arg0: i32) -> (i32, i32) {
    %c0_i32 = arith.constant 0 : i32
    %c0_i32_0 = arith.constant 0 : i32
    return %arg0, %c0_i32 : i32, i32
  }
  func.func @transform_10(%arg0: i32) -> (i32, i32) {
    %c0_i32 = arith.constant 0 : i32
    %c0_i32_0 = arith.constant 0 : i32
    %c0_i32_1 = arith.constant 0 : i32
    return %c0_i32, %c0_i32_0 : i32, i32
  }
  func.func @transform_11(%arg0: i32) -> (i32, i32) {
    %c0_i32 = arith.constant 0 : i32
    %c0_i32_0 = arith.constant 0 : i32
    %c0_i32_1 = arith.constant 0 : i32
    return %c0_i32, %c0_i32_0 : i32, i32
  }
}

module attributes {stable_mosaic.version = 14 : i64} {
  func.func @_tc1_body(%arg0: i32, %arg1: memref<1000x128xf32, #tpu.memory_space<vmem>>, %arg2: memref<1000x128xf32, #tpu.memory_space<vmem>>, %arg3: memref<1x1000x128xf32, #tpu.memory_space<vmem>>, %arg4: memref<1x1000x128xf32, #tpu.memory_space<vmem>>, %arg5: memref<1000x256xf32, #tpu.memory_space<vmem>>, %arg6: memref<256x256xf32, #tpu.memory_space<vmem>>, %arg7: memref<1x256xf32, #tpu.memory_space<vmem>>, %arg8: memref<1000x256xf32, #tpu.memory_space<vmem>>, %arg9: memref<1x256xf32, #tpu.memory_space<vmem>>, %arg10: memref<1x256xf32, #tpu.memory_space<vmem>>) attributes {dimension_semantics = [#tpu.dimension_semantics<arbitrary>], iteration_bounds = array<i64: 10>, scalar_prefetch = 0 : i64, scratch_operands = 0 : i64, tpu.core_type = #tpu.core_type<tc>, window_params = [{transform_indices = @transform_0, window_bounds = array<i64: 1000, 128>}, {transform_indices = @transform_1, window_bounds = array<i64: 1000, 128>}, {transform_indices = @transform_2, window_bounds = array<i64: 1, 1000, 128>}, {transform_indices = @transform_3, window_bounds = array<i64: 1, 1000, 128>}, {transform_indices = @transform_4, window_bounds = array<i64: 1000, 256>}, {pipeline_mode = #tpu.pipeline_mode<synchronous>, transform_indices = @transform_5, window_bounds = array<i64: 256, 256>}, {pipeline_mode = #tpu.pipeline_mode<synchronous>, transform_indices = @transform_6, window_bounds = array<i64: 1, 256>}, {transform_indices = @transform_7, window_bounds = array<i64: 1000, 256>}, {pipeline_mode = #tpu.pipeline_mode<synchronous>, transform_indices = @transform_8, window_bounds = array<i64: 1, 256>}, {pipeline_mode = #tpu.pipeline_mode<synchronous>, transform_indices = @transform_9, window_bounds = array<i64: 1, 256>}]} {
    %get3A = arith.constant 0 : index
    %get3A_0 = arith.constant 0 : index
    %get3A_1 = arith.constant 0 : index
    %get3A_2 = vector.load %arg3[%get3A, %get3A_0, %get3A_1] : memref<1x1000x128xf32, #tpu.memory_space<vmem>>, vector<1x1000x128xf32>
    %get3A_3 = vector.shape_cast %get3A_2 : vector<1x1000x128xf32> to vector<1000x128xf32>
    %slice3A = vector.extract_strided_slice %get3A_3 {offsets = [0, 0], sizes = [1000, 1], strides = [1, 1]} : vector<1000x128xf32> to vector<1000x1xf32>
    %get3A_4 = arith.constant 0 : index
    %get3A_5 = arith.constant 0 : index
    %get3A_6 = arith.constant 0 : index
    %get3A_7 = vector.load %arg4[%get3A_4, %get3A_5, %get3A_6] : memref<1x1000x128xf32, #tpu.memory_space<vmem>>, vector<1x1000x128xf32>
    %get3A_8 = vector.shape_cast %get3A_7 : vector<1x1000x128xf32> to vector<1000x128xf32>
    %slice3A_9 = vector.extract_strided_slice %get3A_8 {offsets = [0, 0], sizes = [1000, 1], strides = [1, 1]} : vector<1000x128xf32> to vector<1000x1xf32>
    %add3A = arith.addf %slice3A, %slice3A_9 : vector<1000x1xf32>
    %max3A = arith.constant 1.000000e+00 : f32
    %max3A_10 = vector.broadcast %max3A : f32 to vector<1000x1xf32>
    %max3A_11 = arith.maximumf %add3A, %max3A_10 : vector<1000x1xf32>
    %get3A_12 = arith.constant 0 : index
    %get3A_13 = arith.constant 0 : index
    %get3A_14 = vector.load %arg1[%get3A_12, %get3A_13] : memref<1000x128xf32, #tpu.memory_space<vmem>>, vector<1000x128xf32>
    %get3A_15 = arith.constant 0 : index
    %get3A_16 = arith.constant 0 : index
    %get3A_17 = vector.load %arg2[%get3A_15, %get3A_16] : memref<1000x128xf32, #tpu.memory_space<vmem>>, vector<1000x128xf32>
    %concatenate3A = tpu.concatenate %get3A_14, %get3A_17 in 1 : vector<1000x128xf32>, vector<1000x128xf32> -> vector<1000x256xf32>
    %div3A = vector.broadcast %max3A_11 : vector<1000x1xf32> to vector<1000x256xf32>
    %div3A_18 = arith.divf %concatenate3A, %div3A : vector<1000x256xf32>
    %get3A_19 = arith.constant 0 : index
    %get3A_20 = arith.constant 0 : index
    %get3A_21 = vector.load %arg6[%get3A_19, %get3A_20] : memref<256x256xf32, #tpu.memory_space<vmem>>, vector<256x256xf32>
    %dot_general3A = arith.constant dense<0.000000e+00> : vector<1000x256xf32>
    %dot_general3A_22 = tpu.matmul %div3A_18, %get3A_21, %dot_general3A {dimension_numbers = #tpu.dot_dimension_numbers<[1], [0], [0], [1], [0, 0, 1, 1], [], []>, transpose_lhs_hint = false} : vector<1000x256xf32>, vector<256x256xf32>, vector<1000x256xf32> -> vector<1000x256xf32>
    %get3A_23 = arith.constant 0 : index
    %get3A_24 = arith.constant 0 : index
    %get3A_25 = vector.load %arg7[%get3A_23, %get3A_24] : memref<1x256xf32, #tpu.memory_space<vmem>>, vector<1x256xf32>
    %add3A_26 = vector.broadcast %get3A_25 : vector<1x256xf32> to vector<1000x256xf32>
    %add3A_27 = arith.addf %dot_general3A_22, %add3A_26 : vector<1000x256xf32>
    %max3A_28 = arith.constant 0.000000e+00 : f32
    %max3A_29 = vector.broadcast %max3A_28 : f32 to vector<1000x256xf32>
    %max3A_30 = arith.maximumf %add3A_27, %max3A_29 : vector<1000x256xf32>
    %get3A_31 = arith.constant 0 : index
    %get3A_32 = arith.constant 0 : index
    %get3A_33 = vector.load %arg5[%get3A_31, %get3A_32] : memref<1000x256xf32, #tpu.memory_space<vmem>>, vector<1000x256xf32>
    %add3A_34 = arith.addf %max3A_30, %get3A_33 : vector<1000x256xf32>
    %swap3A = arith.constant 0 : index
    %swap3A_35 = arith.constant 0 : index
    %swap3A_36 = vector.load %arg8[%swap3A, %swap3A_35] : memref<1000x256xf32, #tpu.memory_space<vmem>>, vector<1000x256xf32>
    tpu.vector_store %arg8[%swap3A, %swap3A_35], %add3A_34 {strides = array<i32>} : memref<1000x256xf32, #tpu.memory_space<vmem>>, vector<1000x256xf32>,
    %eq3A = arith.constant 0 : i32
    %eq3A_37 = arith.cmpi eq, %arg0, %eq3A : i32
    %convert_element_type3A = arith.extui %eq3A_37 : i1 to i32
    %cond3A = arith.constant 0 : i32
    %cond3A_38 = arith.cmpi ne, %convert_element_type3A, %cond3A : i32
    scf.if %cond3A_38 {
      %broadcast_in_dim3A_57 = arith.constant 0.000000e+00 : f32
      %broadcast_in_dim3A_58 = vector.broadcast %broadcast_in_dim3A_57 : f32 to vector<1x256xf32>
      %swap3A_59 = arith.constant 0 : index
      %swap3A_60 = arith.constant 0 : index
      %swap3A_61 = vector.load %arg9[%swap3A_59, %swap3A_60] : memref<1x256xf32, #tpu.memory_space<vmem>>, vector<1x256xf32>
      tpu.vector_store %arg9[%swap3A_59, %swap3A_60], %broadcast_in_dim3A_58 {strides = array<i32>} : memref<1x256xf32, #tpu.memory_space<vmem>>, vector<1x256xf32>,
      %broadcast_in_dim3A_62 = arith.constant 0.000000e+00 : f32
      %broadcast_in_dim3A_63 = vector.broadcast %broadcast_in_dim3A_62 : f32 to vector<1x256xf32>
      %swap3A_64 = arith.constant 0 : index
      %swap3A_65 = arith.constant 0 : index
      %swap3A_66 = vector.load %arg10[%swap3A_64, %swap3A_65] : memref<1x256xf32, #tpu.memory_space<vmem>>, vector<1x256xf32>
      tpu.vector_store %arg10[%swap3A_64, %swap3A_65], %broadcast_in_dim3A_63 {strides = array<i32>} : memref<1x256xf32, #tpu.memory_space<vmem>>, vector<1x256xf32>,
    } else {
    }
    %get3A_39 = arith.constant 0 : index
    %get3A_40 = arith.constant 0 : index
    %get3A_41 = vector.load %arg9[%get3A_39, %get3A_40] : memref<1x256xf32, #tpu.memory_space<vmem>>, vector<1x256xf32>
    %reduce_sum3A = arith.constant dense<0.000000e+00> : vector<256xf32>
    %reduce_sum3A_42 = vector.multi_reduction <add>, %add3A_34, %reduce_sum3A [0] : vector<1000x256xf32> to vector<256xf32>
    %broadcast_in_dim3A = vector.shape_cast %reduce_sum3A_42 : vector<256xf32> to vector<1x256xf32>
    %add3A_43 = arith.addf %get3A_41, %broadcast_in_dim3A : vector<1x256xf32>
    %swap3A_44 = arith.constant 0 : index
    %swap3A_45 = arith.constant 0 : index
    %swap3A_46 = vector.load %arg9[%swap3A_44, %swap3A_45] : memref<1x256xf32, #tpu.memory_space<vmem>>, vector<1x256xf32>
    tpu.vector_store %arg9[%swap3A_44, %swap3A_45], %add3A_43 {strides = array<i32>} : memref<1x256xf32, #tpu.memory_space<vmem>>, vector<1x256xf32>,
    %get3A_47 = arith.constant 0 : index
    %get3A_48 = arith.constant 0 : index
    %get3A_49 = vector.load %arg10[%get3A_47, %get3A_48] : memref<1x256xf32, #tpu.memory_space<vmem>>, vector<1x256xf32>
    %mul3A = arith.mulf %add3A_34, %add3A_34 : vector<1000x256xf32>
    %reduce_sum3A_50 = arith.constant dense<0.000000e+00> : vector<256xf32>
    %reduce_sum3A_51 = vector.multi_reduction <add>, %mul3A, %reduce_sum3A_50 [0] : vector<1000x256xf32> to vector<256xf32>
    %broadcast_in_dim3A_52 = vector.shape_cast %reduce_sum3A_51 : vector<256xf32> to vector<1x256xf32>
    %add3A_53 = arith.addf %get3A_49, %broadcast_in_dim3A_52 : vector<1x256xf32>
    %swap3A_54 = arith.constant 0 : index
    %swap3A_55 = arith.constant 0 : index
    %swap3A_56 = vector.load %arg10[%swap3A_54, %swap3A_55] : memref<1x256xf32, #tpu.memory_space<vmem>>, vector<1x256xf32>
    tpu.vector_store %arg10[%swap3A_54, %swap3A_55], %add3A_53 {strides = array<i32>} : memref<1x256xf32, #tpu.memory_space<vmem>>, vector<1x256xf32>,
    return
  }
  func.func @transform_0(%arg0: i32) -> (i32, i32) {
    %c0_i32 = arith.constant 0 : i32
    %c0_i32_0 = arith.constant 0 : i32
    return %arg0, %c0_i32 : i32, i32
  }
  func.func @transform_1(%arg0: i32) -> (i32, i32) {
    %c0_i32 = arith.constant 0 : i32
    %c0_i32_0 = arith.constant 0 : i32
    return %arg0, %c0_i32 : i32, i32
  }
  func.func @transform_2(%arg0: i32) -> (i32, i32, i32) {
    %c0_i32 = arith.constant 0 : i32
    %c0_i32_0 = arith.constant 0 : i32
    %c0_i32_1 = arith.constant 0 : i32
    return %c0_i32, %arg0, %c0_i32_0 : i32, i32, i32
  }
  func.func @transform_3(%arg0: i32) -> (i32, i32, i32) {
    %c1_i32 = arith.constant 1 : i32
    %c0_i32 = arith.constant 0 : i32
    %c0_i32_0 = arith.constant 0 : i32
    return %c1_i32, %arg0, %c0_i32 : i32, i32, i32
  }
  func.func @transform_4(%arg0: i32) -> (i32, i32) {
    %c0_i32 = arith.constant 0 : i32
    %c0_i32_0 = arith.constant 0 : i32
    return %arg0, %c0_i32 : i32, i32
  }
  func.func @transform_5(%arg0: i32) -> (i32, i32) {
    %c0_i32 = arith.constant 0 : i32
    %c0_i32_0 = arith.constant 0 : i32
    %c0_i32_1 = arith.constant 0 : i32
    return %c0_i32, %c0_i32_0 : i32, i32
  }
  func.func @transform_6(%arg0: i32) -> (i32, i32) {
    %c0_i32 = arith.constant 0 : i32
    %c0_i32_0 = arith.constant 0 : i32
    %c0_i32_1 = arith.constant 0 : i32
    return %c0_i32, %c0_i32_0 : i32, i32
  }
  func.func @transform_7(%arg0: i32) -> (i32, i32) {
    %c0_i32 = arith.constant 0 : i32
    %c0_i32_0 = arith.constant 0 : i32
    return %arg0, %c0_i32 : i32, i32
  }
  func.func @transform_8(%arg0: i32) -> (i32, i32) {
    %c0_i32 = arith.constant 0 : i32
    %c0_i32_0 = arith.constant 0 : i32
    %c0_i32_1 = arith.constant 0 : i32
    return %c0_i32, %c0_i32_0 : i32, i32
  }
  func.func @transform_9(%arg0: i32) -> (i32, i32) {
    %c0_i32 = arith.constant 0 : i32
    %c0_i32_0 = arith.constant 0 : i32
    %c0_i32_1 = arith.constant 0 : i32
    return %c0_i32, %c0_i32_0 : i32, i32
  }
}

module attributes {stable_mosaic.version = 14 : i64} {
  func.func @_tc3_body(%arg0: i32, %arg1: memref<1000x256xf32, #tpu.memory_space<vmem>>, %arg2: memref<1x256xf32, #tpu.memory_space<vmem>>, %arg3: memref<1x256xf32, #tpu.memory_space<vmem>>, %arg4: memref<1x256xf32, #tpu.memory_space<vmem>>, %arg5: memref<1x256xf32, #tpu.memory_space<vmem>>, %arg6: memref<1000x256xf32, #tpu.memory_space<vmem>>) attributes {dimension_semantics = [#tpu.dimension_semantics<arbitrary>], iteration_bounds = array<i64: 10>, scalar_prefetch = 0 : i64, scratch_operands = 0 : i64, tpu.core_type = #tpu.core_type<tc>, window_params = [{transform_indices = @transform_0, window_bounds = array<i64: 1000, 256>}, {pipeline_mode = #tpu.pipeline_mode<synchronous>, transform_indices = @transform_1, window_bounds = array<i64: 1, 256>}, {pipeline_mode = #tpu.pipeline_mode<synchronous>, transform_indices = @transform_2, window_bounds = array<i64: 1, 256>}, {pipeline_mode = #tpu.pipeline_mode<synchronous>, transform_indices = @transform_3, window_bounds = array<i64: 1, 256>}, {pipeline_mode = #tpu.pipeline_mode<synchronous>, transform_indices = @transform_4, window_bounds = array<i64: 1, 256>}, {transform_indices = @transform_5, window_bounds = array<i64: 1000, 256>}]} {
    %get3A = arith.constant 0 : index
    %get3A_0 = arith.constant 0 : index
    %get3A_1 = vector.load %arg2[%get3A, %get3A_0] : memref<1x256xf32, #tpu.memory_space<vmem>>, vector<1x256xf32>
    %div3A = arith.constant 1.000000e+04 : f32
    %div3A_2 = vector.broadcast %div3A : f32 to vector<1x256xf32>
    %div3A_3 = arith.divf %get3A_1, %div3A_2 : vector<1x256xf32>
    %get3A_4 = arith.constant 0 : index
    %get3A_5 = arith.constant 0 : index
    %get3A_6 = vector.load %arg3[%get3A_4, %get3A_5] : memref<1x256xf32, #tpu.memory_space<vmem>>, vector<1x256xf32>
    %div3A_7 = arith.constant 1.000000e+04 : f32
    %div3A_8 = vector.broadcast %div3A_7 : f32 to vector<1x256xf32>
    %div3A_9 = arith.divf %get3A_6, %div3A_8 : vector<1x256xf32>
    %mul3A = arith.mulf %div3A_3, %div3A_3 : vector<1x256xf32>
    %sub3A = arith.subf %div3A_9, %mul3A : vector<1x256xf32>
    %add3A = arith.constant 9.99999974E-6 : f32
    %add3A_10 = vector.broadcast %add3A : f32 to vector<1x256xf32>
    %add3A_11 = arith.addf %sub3A, %add3A_10 : vector<1x256xf32>
    %rsqrt3A = math.rsqrt %add3A_11 : vector<1x256xf32>
    %get3A_12 = arith.constant 0 : index
    %get3A_13 = arith.constant 0 : index
    %get3A_14 = vector.load %arg1[%get3A_12, %get3A_13] : memref<1000x256xf32, #tpu.memory_space<vmem>>, vector<1000x256xf32>
    %sub3A_15 = vector.broadcast %div3A_3 : vector<1x256xf32> to vector<1000x256xf32>
    %sub3A_16 = arith.subf %get3A_14, %sub3A_15 : vector<1000x256xf32>
    %mul3A_17 = vector.broadcast %rsqrt3A : vector<1x256xf32> to vector<1000x256xf32>
    %mul3A_18 = arith.mulf %sub3A_16, %mul3A_17 : vector<1000x256xf32>
    %get3A_19 = arith.constant 0 : index
    %get3A_20 = arith.constant 0 : index
    %get3A_21 = vector.load %arg4[%get3A_19, %get3A_20] : memref<1x256xf32, #tpu.memory_space<vmem>>, vector<1x256xf32>
    %mul3A_22 = vector.broadcast %get3A_21 : vector<1x256xf32> to vector<1000x256xf32>
    %mul3A_23 = arith.mulf %mul3A_18, %mul3A_22 : vector<1000x256xf32>
    %get3A_24 = arith.constant 0 : index
    %get3A_25 = arith.constant 0 : index
    %get3A_26 = vector.load %arg5[%get3A_24, %get3A_25] : memref<1x256xf32, #tpu.memory_space<vmem>>, vector<1x256xf32>
    %add3A_27 = vector.broadcast %get3A_26 : vector<1x256xf32> to vector<1000x256xf32>
    %add3A_28 = arith.addf %mul3A_23, %add3A_27 : vector<1000x256xf32>
    %swap3A = arith.constant 0 : index
    %swap3A_29 = arith.constant 0 : index
    %swap3A_30 = vector.load %arg6[%swap3A, %swap3A_29] : memref<1000x256xf32, #tpu.memory_space<vmem>>, vector<1000x256xf32>
    tpu.vector_store %arg6[%swap3A, %swap3A_29], %add3A_28 {strides = array<i32>} : memref<1000x256xf32, #tpu.memory_space<vmem>>, vector<1000x256xf32>,
    return
  }
  func.func @transform_0(%arg0: i32) -> (i32, i32) {
    %c0_i32 = arith.constant 0 : i32
    %c0_i32_0 = arith.constant 0 : i32
    return %arg0, %c0_i32 : i32, i32
  }
  func.func @transform_1(%arg0: i32) -> (i32, i32) {
    %c0_i32 = arith.constant 0 : i32
    %c0_i32_0 = arith.constant 0 : i32
    %c0_i32_1 = arith.constant 0 : i32
    return %c0_i32, %c0_i32_0 : i32, i32
  }
  func.func @transform_2(%arg0: i32) -> (i32, i32) {
    %c0_i32 = arith.constant 0 : i32
    %c0_i32_0 = arith.constant 0 : i32
    %c0_i32_1 = arith.constant 0 : i32
    return %c0_i32, %c0_i32_0 : i32, i32
  }
  func.func @transform_3(%arg0: i32) -> (i32, i32) {
    %c0_i32 = arith.constant 0 : i32
    %c0_i32_0 = arith.constant 0 : i32
    %c0_i32_1 = arith.constant 0 : i32
    return %c0_i32, %c0_i32_0 : i32, i32
  }
  func.func @transform_4(%arg0: i32) -> (i32, i32) {
    %c0_i32 = arith.constant 0 : i32
    %c0_i32_0 = arith.constant 0 : i32
    %c0_i32_1 = arith.constant 0 : i32
    return %c0_i32, %c0_i32_0 : i32, i32
  }
  func.func @transform_5(%arg0: i32) -> (i32, i32) {
    %c0_i32 = arith.constant 0 : i32
    %c0_i32_0 = arith.constant 0 : i32
    return %arg0, %c0_i32 : i32, i32
  }
}

</mosaic_0001>

<sc_bundles>
// kernel: kernel.6.cloned.1.call-start
scs
__scs_entry_jumppad:
0x0: {  	(pc) =	sbr.rel $0x88, $3  }
0x1: {  	(tag) =	ssettag $0x0;
	lr =	simm.s32 $0x1  }
0x2: {  	[smem:$0x3F95] =	sst lr;
	_ =	strace $0xD0000000  }
0x3: {  	_ = 	snop  }
0x4: {  	_ = 	snop  }
0x5: {  	_ = 	snop  }
0x6: {  	_ = 	snop  }
0x7: {  	_ = 	snop  }
__scs_overlays_trampoline_lowered:
0x8: {  	[smem:$0x3FA4] =	sst s0  }
0x9: {  	[smem:$0x3FA5] =	sst s1  }
0xa: {  	[smem:$0x3FA6] =	sst s2  }
0xb: {  	[smem:$0x3FA7] =	sst s3  }
0xc: {  	[smem:$0x3FA8] =	sst s4  }
0xd: {  	[smem:$0x3FA9] =	sst s5  }
0xe: {  	[smem:$0x3FAA] =	sst s6  }
0xf: {  	[smem:$0x3FAB] =	sst s7  }
0x10: {  	[smem:$0x3FAC] =	sst s8  }
0x11: {  	[smem:$0x3FAD] =	sst s9;
	s0 =	simm.s32 @!p0 $0x0  }
0x12: {  	s1 =	sld [smem:$0x3F93];
	s0 =	simm.s32 @p0 $0x1  }
0x13: {  	[smem:$0x3FAE] =	sst s0;
	s0 =	simm.s32 @!p1 $0x0  }
0x14: {  	s2 =	sld [smem:$0x3F92];
	s0 =	simm.s32 @p1 $0x1  }
0x15: {  	[smem:$0x3FAF] =	sst s0;
	s0 =	simm.s32 @!p2 $0x0  }
0x16: {  	s3 =	sld [smem:$0x3FDB];
	s0 =	simm.s32 @p2 $0x1  }
0x17: {  	s4 =	simm.s32 $0x1BF5;
	[smem:$0x3FB1] =	sst s0  }
0x18: {  	s0 =	sld [smem:$0x3F94];
	_ =	swait.ge [sflag:s4], $0x0  }
0x19: {  	s7 =	sld [smem:$0x3F95]  }
0x1a: {  	s8 =	sadd.s32 $0xFFFFE003, lr  }
0x1b: {  	s9 =	sadd.s32 $0xFFFFFEF7, lr;
	s5 =	simm.s32 $0xFFFFFFFF;
	p2 =	slt.u32 s8, $0xFFFFF086  }
0x1c: {  	p1 =	slt.u32 s9, $0xF7A;
	s5 =	simm.s32 @!p2 $0x0  }
0x1d: {  	s5 =	simm.s32 @p1 $0x1;
	p0 =	seq.s32 s7, s2  }
0x1e: {  	s7 =	smul.u32 @!p0 $0xF7A, s2;
	p2 =	seq.s32 @!p0 s5, $0x0  }
0x1f: {  	s9 =	smul.u32 $0xF7A, s1;
	s8 =	simm.s32 @!p0 $0x1BF5;
	p2 =	por !p2, p0  }
0x20: {  	[sflag:s8] =	ssyncset.s32 @!p0 $0xFFFFF086;
	s6 =	sadd.s32 @!p0 s3, s7;
	s7 =	simm.s32 @!p0 $0x108  }
0x21: {  	s3 =	sadd.s32 s3, s9;
	s6 =	sadd.s32 @!p0 $0x88, s6;
	s7 =	simm.s32 @p2 $0x1082  }
0x22: {  	[simem:s7], [sflag:s8] =	dma.local @!p0 [hbm:s6], $0xF7A  }
0x23: {  	s9 =	sor.u32 $0xD0000000, s2;
	s6 =	simm.s32 $0x108;
	_ =	swait.ge @!p0 [sflag:s8], $0x0  }
0x24: {  	s3 =	sadd.s32 $0x88, s3;
	s6 =	simm.s32 @!p1 $0x1082;
	[sflag:s4] =	ssyncset.s32 $0xFFFFF086  }
0x25: {  	[simem:s6], [sflag:s4] =	dma.local [hbm:s3], $0xF7A  }
0x26: {  	[smem:$0x3F95] =	sst s1;
	(tag) =	ssettag s2;
	_ =	strace s9  }
0x27: {  	s1 =	sld [smem:$0x3FA5]  }
0x28: {  	s2 =	sld [smem:$0x3FA6]  }
0x29: {  	s4 =	sld [smem:$0x3FA8]  }
0x2a: {  	p0 =	seq.s32 s5, $0x0;
	s5 =	sld [smem:$0x3FA9]  }
0x2b: {  	s6 =	sld [smem:$0x3FAA]  }
0x2c: {  	s7 =	sld [smem:$0x3FAB]  }
0x2d: {  	s3 =	simm.s32 $0x108;
	s8 =	sld [smem:$0x3FAC]  }
0x2e: {  	s3 =	simm.s32 @!p0 $0x1082;
	s9 =	sld [smem:$0x3FAD]  }
0x2f: {  	lr =	sadd.s32 s0, s3;
	s0 =	sld [smem:$0x3FA4]  }
0x30: {  	s3 =	sld [smem:$0x3FA7]  }
0x31: {  	[smem:$0x3FB0] =	sst s10  }
0x32: {  	s10 =	sld [smem:$0x3FAE];
	_ =	sdelay $0x3  }
0x33: {  	p0 =	seq.s32 s10, $0x1;
	s10 =	sld [smem:$0x3FB0];
	_ =	sdelay $0x3  }
0x34: {  	[smem:$0x3FB0] =	sst s10  }
0x35: {  	s10 =	sld [smem:$0x3FAF];
	_ =	sdelay $0x3  }
0x36: {  	p1 =	seq.s32 s10, $0x1;
	s10 =	sld [smem:$0x3FB0];
	_ =	sdelay $0x3  }
0x37: {  	[smem:$0x3FB0] =	sst s10  }
0x38: {  	s10 =	sld [smem:$0x3FB1]  }
0x39: {  	_ = 	snop;
	(pc) =	sbr.ind lr, $3  }
0x3a: {  	_ = 	snop  }
0x3b: {  	_ = 	snop  }
0x3c: {  	p2 =	seq.s32 s10, $0x1;
	s10 =	sld [smem:$0x3FB0]  }
0x3d: {  	_ =	shalt  }
0x3e: {  	_ =	shalt  }
0x3f: {  	_ =	shalt  }
0x40: {  	_ =	shalt  }
0x41: {  	_ =	shalt  }
0x42: {  	_ =	shalt  }
0x43: {  	_ =	shalt  }
0x44: {  	_ =	shalt  }
0x45: {  	_ =	shalt  }
0x46: {  	_ =	shalt  }
0x47: {  	_ =	shalt  }
0x48: {  	_ =	shalt  }
0x49: {  	_ =	shalt  }
0x4a: {  	_ =	shalt  }
0x4b: {  	_ =	shalt  }
0x4c: {  	_ =	shalt  }
0x4d: {  	_ =	shalt  }
0x4e: {  	_ =	shalt  }
0x4f: {  	_ =	shalt  }
0x50: {  	_ =	shalt  }
0x51: {  	_ =	shalt  }
0x52: {  	_ =	shalt  }
0x53: {  	_ =	shalt  }
0x54: {  	_ =	shalt  }
0x55: {  	_ =	shalt  }
0x56: {  	_ =	shalt  }
0x57: {  	_ =	shalt  }
0x58: {  	_ =	shalt  }
0x59: {  	_ =	shalt  }
0x5a: {  	_ =	shalt  }
0x5b: {  	_ =	shalt  }
0x5c: {  	_ =	shalt  }
0x5d: {  	_ =	shalt  }
0x5e: {  	_ =	shalt  }
0x5f: {  	_ =	shalt  }
0x60: {  	_ =	shalt  }
0x61: {  	_ =	shalt  }
0x62: {  	_ =	shalt  }
0x63: {  	_ =	shalt  }
0x64: {  	_ =	shalt  }
0x65: {  	_ =	shalt  }
0x66: {  	_ =	shalt  }
0x67: {  	_ =	shalt  }
0x68: {  	_ =	shalt  }
0x69: {  	_ =	shalt  }
0x6a: {  	_ =	shalt  }
0x6b: {  	_ =	shalt  }
0x6c: {  	_ =	shalt  }
0x6d: {  	_ =	shalt  }
0x6e: {  	_ =	shalt  }
0x6f: {  	_ =	shalt  }
0x70: {  	_ =	shalt  }
0x71: {  	_ =	shalt  }
0x72: {  	_ =	shalt  }
0x73: {  	_ =	shalt  }
0x74: {  	_ =	shalt  }
0x75: {  	_ =	shalt  }
0x76: {  	_ =	shalt  }
0x77: {  	_ =	shalt  }
0x78: {  	_ =	shalt  }
0x79: {  	_ =	shalt  }
0x7a: {  	_ =	shalt  }
0x7b: {  	_ =	shalt  }
0x7c: {  	_ =	shalt  }
0x7d: {  	_ =	shalt  }
0x7e: {  	_ =	shalt  }
0x7f: {  	_ =	shalt  }
0x80: {  	_ =	shalt  }
0x81: {  	_ =	shalt  }
0x82: {  	_ =	shalt  }
0x83: {  	_ =	shalt  }
0x84: {  	_ =	shalt  }
0x85: {  	_ =	shalt  }
0x86: {  	_ =	shalt  }
0x87: {  	_ =	shalt  }
.Lfunc_end0:
.L_simem_size_0:
called_computation_lowered:
.L_overlay_start_0:
0x88: {  	s2 =	sld [smem:$0x3FD9]  }
0x89: {  	s3 =	sld [smem:$0x3FFE];
	_ =	sdelay $0x1  }
0x8a: {  	s1 =	srdreg.scid  }
0x8b: {  	s0 =	sand.u32 $0x1, s1  }
0x8c: {  	s17 =	sshll.u32 s0, $0xA;
	s2 =	sadd.s32 s3, s2  }
0x8d: {  	s2 =	sadd.s32 s2, s17  }
0x8e: {  	[smem:$0x3FBC] =	sst s2  }
0x8f: {  	_ = 	snop  }
0x90: {  	s2 =	sld [smem:$0x3FD0];
	(tm) =	ssettm $0x1  }
0x91: {  	s18 =	sld [smem:$0x3FFB];
	_ =	sdelay $0x3  }
0x92: {  	_ =	strace s18  }
0x93: {  	s3 =	sld [smem:$0x3FFC];
	_ =	sdelay $0x3  }
0x94: {  	_ =	strace s3  }
0x95: {  	s3 =	sld [smem:$0x3FFD];
	_ =	sdelay $0x3  }
0x96: {  	_ =	strace s3  }
0x97: {  	_ =	strace $0x8FFFFFFF  }
0x98: {  	s19 =	sld [smem:$0x3FDB];
	_ =	sdelay $0x1  }
0x99: {  	s4 =	simm.s32 $_scs_section_size  }
0x9a: {  	s5 =	simm.s32 $_size__tile_overlayer_lowered;
	s6 =	simm.s32 $_tile_overlayer_lowered  }
0x9b: {  	s22 =	simm.s32 $0x1BFF;
	s21 =	sshll.u32 s6, $0x1;
	s3 =	sadd.s32 s4, s19  }
0x9c: {  	s7 =	simm.s32 $0x0;
	s20 =	sshll.u32 s5, $0x1;
	s5 =	sadd.s32 s21, s3  }
0x9d: {  	[timem:s7], [sflag:s22] =	dma.local [hbm:s5], s20  }
0x9e: {  	_ =	swait.ge [sflag:s22], s20  }
0x9f: {  	s4 =	ssub.s32 $0x0, s20;
	[sflag:s22] =	ssyncset.done $0x0  }
0xa0: {  	[sflag:s22] =	ssyncadd.s32 s4;
	_ =	sdelay $0x1  }
0xa1: {  	s23 =	simm.s32 $0x1B8B  }
0xa2: {  	_ =	swait.ge [sflag:s23], $0x1  }
0xa3: {  	[sflag:s23] =	ssyncset.done $0x0  }
0xa4: {  	s25 =	simm.s32 $0x1B8E;
	s24 =	sld [smem:$0x3FFE];
	[sflag:s23] =	ssyncadd.s32 $0xFFFFFFFF  }
0xa5: {  	s26 =	simm.s32 $execute0_lowered;
	[smem:$0x3FD2] =	sst s25  }
0xa6: {  	s5 =	sshll.u32 s26, $0x1;
	_ =	strace $0x80000046;
	[dreg:$0x1] =	wrdreg $0xFFFFFFFF  }
0xa7: {  	s28 =	simm.s32 $_size_execute0_lowered;
	s3 =	sadd.s32 s3, s5;
	[dreg:$0x0] =	wrdreg $0x0  }
0xa8: {  	s5 =	sshll.u32 s28, $0x1;
	[dreg:$0x2] =	wrdreg s3  }
0xa9: {  	[dreg:$0x3] =	wrdreg s5  }
0xaa: {  	[dreg:$0x4] =	wrdreg $0xC0  }
0xab: {  	_ =	task [dreg:s7], $0x5FFFF  }
0xac: {  	[dreg:$0x1] =	wrdreg $0xFFFFFFFF  }
0xad: {  	[dreg:$0x0] =	wrdreg $0x60  }
0xae: {  	[dreg:$0x2] =	wrdreg s2  }
0xaf: {  	[dreg:$0x3] =	wrdreg s24  }
0xb0: {  	[dreg:$0x4] =	wrdreg $0x85000  }
0xb1: {  	[dreg:$0x5] =	wrdreg $0x9  }
0xb2: {  	_ =	task.clear_ibuf [dreg:s7], $0x6FFFF;
	_ =	strace $0x90000046  }
0xb3: {  	s29 =	simm.s32 $0x9;
	_ =	strace $0x80000048  }
0xb4: {  	_ =	swait.ge [sflag:s29], $0x1  }
0xb5: {  	[sflag:s29] =	ssyncadd.s32 $0xFFFFFFFF  }
0xb6: {  	_ =	strace $0x90000048  }
0xb7: {  	_ =	sfence  }
0xb8: {  	s30 =	sld [smem:$0x0];
	_ =	sdelay $0x2  }
0xb9: {  	s31 =	sshll.u32 s1, $0xD;
	s1 =	sshrl.u32 s1, $0x2  }
0xba: {  	s3 =	sand.u32 $0x4000, s31;
	s1 =	sadd.s32 s1, s30  }
0xbb: {  	s0 =	sor.u32 s3, s0;
	s1 =	sshll.u32 s1, $0x11  }
0xbc: {  	s0 =	sor.u32 s1, s0  }
0xbd: {  	s0 =	sadd.s32 $0x8F2B, s0  }
0xbe: {  	[sflag:s0] =	ssyncadd.remote.s32 $0x1  }
0xbf: {  	_ =	sfence.sel $0xFFFF  }
0xc0: {  	[dreg:$0x0] =	wrdreg $0xFFFFFFFF;
	(pc) =	sbr.abs _section_cstart, $3  }
0xc1: {  	[dreg:$0x1] =	wrdreg $0xFFFFFFFF  }
0xc2: {  	_ =	task.clear_ibuf [dreg:s7], $0x2FFFF;
	_ =	strace $0x9FFFFFFF  }
0xc3: {  	(tm) =	ssettm $0x7FFFFFFF  }
tec
execute0_lowered:
.L_overlay_start_1:
0x0: {  	(tag) =	ssettag $0x1  }
0x1: {  	s1 =	rddreg [dreg:$0x0]  }
0x2: {  	s0 =	rddreg [dreg:$0x1]  }
0x3: {  	s2 =	rddreg [dreg:$0x2];
	s3 =	srdreg.scid  }
0x4: {  	s4 =	simm.s32 $0x0;
	s28 =	simm.s32 $0x4500;
	s13 =	sand.u32 $0x1, s3  }
0x5: {  	s29 =	simm.s32 $0x300;
	s3 =	stileid.u32;
	s7 =	smul.u32 $0x138800, s13  }
0x6: {  	[smem:$0x7FF] =	sst s4;
	s8 =	sadd.s32 $0xC000, s0;
	s11 =	smul.u32 $0x1400, s3  }
0x7: {  	_ =	strace $0x80000047;
	[dreg:$0x6] =	wrdreg s8;
	s8 =	smul.u32 $0x500, s3  }
0x8: {  	s30 =	simm.s32 $0x3;
	s31 =	simm.s32 $0x500;
	s12 =	smul.u32 $0x2800, s3  }
0x9: {  	s5 =	sadd.s32 $0x1E00, s0;
	s6 =	sadd.s32 $0xBE00, s0;
	s14 =	smul.u32 $0x280, s13  }
0xa: {  	s9 =	sadd.s32 $0xC800, s0;
	s23 =	sadd.s32 $0x33A00, s0;
	s16 =	smul.u32 $0x28, s3  }
0xb: {  	s25 =	ssub.s32 $0x2, s13;
	p0 =	seq.s32 s13, $0x1;
	s17 =	smul.u32 $0x280, s3  }
0xc: {  	s19 =	smul.u32 $0x2800, s13;
	s21 =	sshll.u32 s3, $0xA;
	v0 =	vmov s13;
	s13 =	simm.s32 $0x0  }
0xd: {  	s15 =	sshrl.u32 s25, $0x1;
	s21 =	sadd.s32 s21, s2;
	s7 =	sadd.s32 s11, s7  }
0xe: {  	s26 =	ssub.s32 s25, s15;
	s12 =	sshrl.u32 s12, $0x3;
	s11 =	sadd.s32 s5, s8  }
0xf: {  	s14 =	sadd.s32 s16, s14;
	[dreg:$0x8] =	wrdreg s17;
	s25 =	simm.s32 $0x200  }
0x10: {  	[dreg:$0xd] =	wrdreg s21;
	s7 =	sshrl.u32 s7, $0x3;
	s12 =	sadd.s32 s5, s12  }
0x11: {  	s15 =	sshll.u32 s14, $0x4;
	[dreg:$0x4] =	wrdreg s25;
	s10 =	sadd.s32 $0x5000, s12  }
0x12: {  	s0 =	sadd.s32 s7, s0;
	s7 =	smax.u32 s26, $0x1;
	[dreg:$0x7] =	wrdreg s10  }
0x13: {  	s12 =	sadd.s32 s5, s15;
	s26 =	simm.s32 $0x400;
	[dreg:$0xa] =	wrdreg s7  }
0x14: {  	s16 =	smul.u32 $0x5000, s3;
	s18 =	sadd.s32 $0x5000, s12;
	[dreg:$0x5] =	wrdreg s26  }
0x15: {  	s25 =	simm.s32 $0x80;
	s20 =	sadd.s32 $0x5020, s12;
	[dreg:$0x9] =	wrdreg s18  }
0x16: {  	s22 =	sshrl.u32 s16, $0x2;
	s12 =	sadd.s32 $0x5040, s12;
	[dreg:$0xb] =	wrdreg s20  }
0x17: {  	s14 =	simm.s32 $0x5;
	s24 =	sadd.s32 s22, s2;
	[dreg:$0xc] =	wrdreg s12  }
0x18: {  	s15 =	simm.s32 $0x6;
	s7 =	sadd.s32 s17, s19;
	[dreg:$0xf] =	wrdreg s24  }
0x19: {  	s16 =	simm.s32 $0x380;
	s0 =	sadd.s32 $0x5AC00, s0;
	[dreg:$0xe] =	wrdreg s7  }
0x1a: {  	s26 =	simm.s32 $0x480;
	s7 =	sadd.s32 s5, s7;
	[dreg:$0x11] =	wrdreg s0  }
0x1b: {  	s24 =	simm.s32 $0x1;
	s0 =	simm.s32 $0x4;
	s7 =	sadd.s32 $0x5080, s7  }
0x1c: {  	s12 =	simm.s32 $0x2;
	[dreg:$0x10] =	wrdreg s7;
	s7 =	simm.s32 $0x180  }
.LBB2_1:
0x1d: {  	s22 =	sadd.s32 $0x0, s3  }
0x1e: {  	p1 =	sgt.u32 s22, $0x4E7  }
0x1f: {  	[dreg:$0x12] =	wrdreg s13;
	s13 =	sshll.u32 @!p1 s3, $0x6  }
0x20: {  	s17 =	sshrl.u32 @!p1 s21, $0x3;
	s20 =	simm.s32 @!p1 $0x7;
	s13 =	sor.u32 @!p1 $0x1C07, s13  }
0x21: {  	[spmem:s17], [sflag:s13] =	dma.local @!p1 [hbm:s6], $0x80  }
0x22: {  	s18 =	simm.s32 $0x20;
	_ =	swait.ge @!p1 [sflag:s20], $0x80  }
0x23: {  	s22 =	sadd.s32 $0x10, s3;
	s13 =	sadd.s32 $0x4000, s21;
	[sflag:s20] =	ssyncset.done @!p1 $0x0  }
.LBB2_2:
0x24: {  	s17 =	smov.u32 s18;
	s18 =	sadd.s32 $0x10, s18  }
0x25: {  	[sflag:s20] =	ssyncadd.s32 @!p1 $0xFFFFFF80;
	p1 =	sgt.u32 s22, $0x4E7;
	p2 =	sne.s32 s18, $0x4F0  }
.Ltmp0:
0x26: {  	s20 =	sshll.u32 @!p1 s3, $0x6;
	s22 =	sshrl.u32 @!p1 s13, $0x3;
	(pc) =	sbr.rel @p2 .LBB2_2-.Ltmp0, $4  }
0x27: {  	s19 =	sor.u32 @!p1 $0x1C07, s20;
	s20 =	simm.s32 @!p1 $0x7  }
0x28: {  	[spmem:s22], [sflag:s19] =	dma.local @!p1 [hbm:s6], $0x80  }
0x29: {  	_ =	swait.ge @!p1 [sflag:s20], $0x80  }
0x2a: {  	s13 =	sadd.s32 $0x4000, s13;
	s22 =	sadd.s32 s17, s3;
	[sflag:s20] =	ssyncset.done @!p1 $0x0  }
0x2b: {  	p2 =	sgt.u32 s22, $0x4E7  }
0x2c: {  	[sflag:s20] =	ssyncadd.s32 @!p1 $0xFFFFFF80;
	s17 =	sshll.u32 @!p2 s3, $0x6  }
0x2d: {  	s13 =	sshrl.u32 @!p2 s13, $0x3;
	s18 =	simm.s32 @!p2 $0x7;
	s17 =	sor.u32 @!p2 $0x1C07, s17  }
0x2e: {  	[spmem:s13], [sflag:s17] =	dma.local @!p2 [hbm:s6], $0x80  }
0x2f: {  	_ =	swait.ge @!p2 [sflag:s18], $0x80  }
0x30: {  	[sflag:s18] =	ssyncset.done @!p2 $0x0  }
0x31: {  	[sflag:s18] =	ssyncadd.s32 @!p2 $0xFFFFFF80  }
0x32: {  	s22 =	simm.s32 $0x0;
	[bflag:$0x0] =	sbarrier.arrive $0xFFFF  }
0x33: {  	[tilespmem:s22], [sflag:$0x1] =	stream.linear.gather [hbm4b:s11+s22], $0x100, $0x38;
	[tilespmem:$0x1BF00] =	vst v63  }
0x34: {  	s19 =	simm.s32 $0x100;
	s10 =	rddreg [dreg:$0x7]  }
0x35: {  	[tilespmem:s19], [sflag:$0x1] =	stream.linear.gather [hbm4b:s10+s22], $0x100, $0x38;
	[tilespmem:$0x1BF00] =	vst v63  }
0x36: {  	_ =	swait.ge [sflag:s24], $0x100  }
0x37: {  	[sflag:s24] =	ssyncset.done $0x0  }
0x38: {  	[sflag:s24] =	ssyncadd.s32 $0xFFFFFF00  }
0x39: {  	_ =	swait.ge [sflag:s24], $0x100  }
0x3a: {  	[sflag:s24] =	ssyncset.done $0x0  }
0x3b: {  	[sflag:s24] =	ssyncadd.s32 $0xFFFFFF00  }
0x3c: {  	v1 =	vld [tilespmem:$0xC0]  }
0x3d: {  	v2 =	vld [tilespmem:$0xB0]  }
0x3e: {  	v3 =	vld [tilespmem:$0x60]  }
0x3f: {  	v6 =	vld [tilespmem:$0x20]  }
0x40: {  	v4 =	vld [tilespmem:$0x50]  }
0x41: {  	v5 =	vld [tilespmem:$0x40];
	v1 =	vshll.u32 v1, $0x1  }
0x42: {  	v7 =	vld [tilespmem:$0xE0];
	v2 =	vshll.u32 v2, $0x1;
	v1 =	vor.u32 v0, v1  }
0x43: {  	v8 =	vld [tilespmem:$0x30];
	v3 =	vshll.u32 v3, $0x1;
	v2 =	vor.u32 v0, v2;
	[tilespmem:$0x4C0] =	vst v1  }
0x44: {  	v6 =	vshll.u32 v6, $0x1;
	v3 =	vor.u32 v0, v3;
	v1 =	vld [tilespmem:$0x10];
	[tilespmem:$0x4B0] =	vst v2  }
0x45: {  	v6 =	vor.u32 v0, v6;
	v2 =	vshll.u32 v4, $0x1;
	[tilespmem:$0x460] =	vst v3;
	v3 =	vld [tilespmem:$0x70]  }
0x46: {  	v4 =	vshll.u32 v5, $0x1;
	v5 =	vld [tilespmem:$0x0];
	[tilespmem:$0x420] =	vst v6;
	v2 =	vor.u32 v0, v2  }
0x47: {  	v7 =	vshll.u32 v7, $0x1;
	v4 =	vor.u32 v0, v4;
	[tilespmem:$0x450] =	vst v2;
	v2 =	vld [tilespmem:$0x80]  }
0x48: {  	v6 =	vld [tilespmem:$0xF0];
	[tilespmem:$0x440] =	vst v4;
	v4 =	vor.u32 v0, v7;
	v7 =	vshll.u32 v8, $0x1  }
0x49: {  	v8 =	vld [tilespmem:$0xD0];
	[tilespmem:$0x4E0] =	vst v4;
	v7 =	vor.u32 v0, v7;
	v1 =	vshll.u32 v1, $0x1  }
0x4a: {  	v4 =	vld [tilespmem:$0x90];
	[tilespmem:$0x430] =	vst v7;
	v3 =	vshll.u32 v3, $0x1;
	v1 =	vor.u32 v0, v1  }
0x4b: {  	v5 =	vshll.u32 v5, $0x1;
	v3 =	vor.u32 v0, v3;
	[tilespmem:$0x410] =	vst v1;
	v1 =	vld [tilespmem:$0xA0]  }
0x4c: {  	v5 =	vor.u32 v0, v5;
	v2 =	vshll.u32 v2, $0x1;
	[tilespmem:$0x470] =	vst v3  }
0x4d: {  	[tilespmem:$0x400] =	vst v5;
	v3 =	vshll.u32 v6, $0x1;
	v2 =	vor.u32 v0, v2  }
0x4e: {  	v5 =	vshll.u32 v8, $0x1;
	[tilespmem:$0x480] =	vst v2;
	v2 =	vor.u32 v0, v3  }
0x4f: {  	v3 =	vshll.u32 v4, $0x1;
	v4 =	vor.u32 v0, v5;
	[tilespmem:$0x4F0] =	vst v2  }
0x50: {  	v2 =	vor.u32 v0, v3;
	[tilespmem:$0x4D0] =	vst v4;
	v1 =	vshll.u32 v1, $0x1  }
0x51: {  	p1 =	por $0x1, $0x1;
	[tilespmem:$0x490] =	vst v2;
	v1 =	vor.u32 v0, v1  }
0x52: {  	s13 =	simm.s32 @p1 $0x80;
	s17 =	simm.s32 @p1 $0x400;
	s18 =	simm.s32 @p1 $0x500;
	[tilespmem:$0x4A0] =	vst v1  }
0x53: {  	[tilespmem:s18], [sflag:$0x3] =	stream.indirect.gather @p1 [hbm4b:s1+s13], $0x80, s17, s13, $0xb8;
	[tilespmem:$0x1BF00] =	vst v63  }
0x54: {  	s13 =	simm.s32 @!p1 $0x5  }
0x55: {  	_ =	swait.ge @!p1 [sflag:s13], $0x4000  }
0x56: {  	s17 =	simm.s32 @!p1 $0x500;
	[sflag:s13] =	ssyncset.done @!p1 $0x0  }
0x57: {  	s18 =	simm.s32 @!p1 $0x80;
	[sflag:s13] =	ssyncadd.s32 @!p1 $0xFFFFC000;
	s13 =	simm.s32 @!p1 $0x400  }
0x58: {  	[tilespmem:s17], [sflag:$0x3] =	stream.indirect.gather @!p1 [hbm4b:s1+s18], $0x80, s13, s18, $0xb8;
	[tilespmem:$0x1BF00] =	vst v63  }
0x59: {  	s13 =	simm.s32 @!p1 $0x6  }
0x5a: {  	s20 =	sadd.s32 $0x0, s8;
	s21 =	sand.u32 $0x40, s22;
	_ =	swait.ge @!p1 [sflag:s13], $0x4000  }
0x5b: {  	s17 =	sand.u32 $0xFF80, s20;
	s18 =	sadd.s32 s21, s5;
	[sflag:s13] =	ssyncset.done @!p1 $0x0  }
0x5c: {  	s19 =	sadd.s32 s17, s18;
	[sflag:s13] =	ssyncadd.s32 @!p1 $0xFFFFC000  }
0x5d: {  	[tilespmem:s28], [sflag:$0x4] =	stream.indirect.gather [hbm4b:s1+s25], $0x80, s26, s25, $0xb8;
	[tilespmem:$0x1BF00] =	vst v63  }
0x5e: {  	s21 =	sadd.s32 $0x0, s11;
	s20 =	rddreg [dreg:$0x4];
	s13 =	sadd.s32 $0x20, s19  }
0x5f: {  	[tilespmem:s20], [sflag:$0x2] =	stream.linear.gather [hbm4b:s13+s4], $0x100, $0x38;
	[tilespmem:$0x1BF00] =	vst v63  }
0x60: {  	s13 =	sadd.s32 $0x5020, s21  }
0x61: {  	[tilespmem:s29], [sflag:$0x2] =	stream.linear.gather [hbm4b:s13+s4], $0x100, $0x38;
	[tilespmem:$0x1BF00] =	vst v63  }
0x62: {  	_ =	swait.ge [sflag:s30], $0x4000  }
0x63: {  	[sflag:s30] =	ssyncset.done $0x0  }
0x64: {  	s10 =	simm.s32 $0x100;
	[sflag:s30] =	ssyncadd.s32 $0xFFFFC000  }
0x65: {  	[spmem:s2] =	stream.indirect.scatter.add.f32 [tilespmem:s31], [sflag:$0x5], $0x80, s10, s25, $0xb8;
	[tilespmem:$0x1BF00] =	vst v63  }
0x66: {  	_ =	swait.ge [sflag:s0], $0x4000  }
0x67: {  	[sflag:s0] =	ssyncset.done $0x0  }
0x68: {  	[sflag:s0] =	ssyncadd.s32 $0xFFFFC000  }
0x69: {  	[spmem:s2] =	stream.indirect.scatter.add.f32 [tilespmem:s28], [sflag:$0x6], $0x80, s7, s25, $0xb8;
	[tilespmem:$0x1BF00] =	vst v63  }
0x6a: {  	_ =	swait.ge [sflag:s12], $0x100  }
0x6b: {  	[sflag:s12] =	ssyncset.done $0x0  }
0x6c: {  	[sflag:s12] =	ssyncadd.s32 $0xFFFFFF00  }
0x6d: {  	_ =	swait.ge [sflag:s12], $0x100  }
0x6e: {  	[sflag:s12] =	ssyncset.done $0x0  }
0x6f: {  	[sflag:s12] =	ssyncadd.s32 $0xFFFFFF00  }
0x70: {  	v2 =	vld [tilespmem:$0x200]  }
0x71: {  	v3 =	vld [tilespmem:$0x210]  }
0x72: {  	v4 =	vld [tilespmem:$0x230]  }
0x73: {  	v6 =	vld [tilespmem:$0x240]  }
0x74: {  	v1 =	vld [tilespmem:$0x220]  }
0x75: {  	v5 =	vld [tilespmem:$0x250];
	v2 =	vshll.u32 v2, $0x1  }
0x76: {  	v7 =	vshll.u32 v3, $0x1;
	v3 =	vld [tilespmem:$0x260];
	v2 =	vor.u32 v0, v2  }
0x77: {  	[tilespmem:$0x400] =	vst v2;
	v2 =	vor.u32 v0, v7;
	v7 =	vshll.u32 v4, $0x1;
	v4 =	vld [tilespmem:$0x270]  }
0x78: {  	s13 =	simm.s32 $0x40;
	[tilespmem:$0x410] =	vst v2;
	v2 =	vor.u32 v0, v7;
	v7 =	vshll.u32 v6, $0x1;
	v6 =	vld [tilespmem:$0x280]  }
.LBB2_4:
0x79: {  	_ = 	snop  }
0x7a: {  	v7 =	vor.u32 v0, v7;
	v8 =	vld [tilespmem:$0x290];
	[tilespmem:$0x430] =	vst v2;
	v5 =	vshll.u32 v5, $0x1  }
0x7b: {  	[tilespmem:$0x440] =	vst v7;
	v7 =	vld [tilespmem:$0x2A0];
	v3 =	vshll.u32 v3, $0x1;
	v5 =	vor.u32 v0, v5  }
0x7c: {  	v9 =	vld [tilespmem:$0x2B0];
	v1 =	vshll.u32 v1, $0x1;
	v3 =	vor.u32 v0, v3;
	[tilespmem:$0x450] =	vst v5  }
0x7d: {  	v4 =	vshll.u32 v4, $0x1;
	v1 =	vor.u32 v0, v1;
	v5 =	vld [tilespmem:$0x2C0];
	[tilespmem:$0x460] =	vst v3  }
0x7e: {  	v3 =	vor.u32 v0, v4;
	v4 =	vshll.u32 v6, $0x1;
	v6 =	vld [tilespmem:$0x2D0];
	[tilespmem:$0x420] =	vst v1  }
0x7f: {  	[tilespmem:$0x470] =	vst v3;
	v3 =	vor.u32 v0, v4;
	v4 =	vshll.u32 v8, $0x1;
	v8 =	vld [tilespmem:$0x2E0]  }
0x80: {  	[tilespmem:$0x480] =	vst v3;
	v3 =	vor.u32 v0, v4;
	v4 =	vshll.u32 v7, $0x1;
	v7 =	vld [tilespmem:$0x2F0]  }
0x81: {  	[tilespmem:$0x490] =	vst v3;
	v3 =	vor.u32 v0, v4;
	v4 =	vshll.u32 v9, $0x1  }
0x82: {  	[tilespmem:$0x4A0] =	vst v3;
	v3 =	vor.u32 v0, v4;
	v4 =	vshll.u32 v5, $0x1  }
0x83: {  	[tilespmem:$0x4B0] =	vst v3;
	v3 =	vor.u32 v0, v4;
	v4 =	vshll.u32 v6, $0x1  }
0x84: {  	[tilespmem:$0x4C0] =	vst v3;
	v3 =	vor.u32 v0, v4;
	v4 =	vshll.u32 v8, $0x1  }
0x85: {  	[tilespmem:$0x4D0] =	vst v3;
	v3 =	vor.u32 v0, v4;
	v4 =	vshll.u32 v7, $0x1  }
0x86: {  	[tilespmem:$0x4E0] =	vst v3;
	v3 =	vor.u32 v0, v4  }
0x87: {  	[tilespmem:$0x4F0] =	vst v3  }
0x88: {  	_ =	swait.ge [sflag:s14], $0x4000  }
0x89: {  	[sflag:s14] =	ssyncset.done $0x0  }
0x8a: {  	s17 =	rddreg [dreg:$0x5];
	[sflag:s14] =	ssyncadd.s32 $0xFFFFC000  }
0x8b: {  	[tilespmem:s31], [sflag:$0x3] =	stream.indirect.gather [hbm4b:s1+s25], $0x80, s17, s25, $0xb8;
	[tilespmem:$0x1BF00] =	vst v63  }
0x8c: {  	_ =	swait.ge [sflag:s15], $0x4000  }
0x8d: {  	p2 =	seq.s32 s22, $0x4C0;
	[sflag:s15] =	ssyncset.done $0x0  }
0x8e: {  	s18 =	smov.u32 s13;
	s17 =	sadd.s32 @!p2 s22, s11;
	[sflag:s15] =	ssyncadd.s32 $0xFFFFC000  }
0x8f: {  	[tilespmem:s28], [sflag:$0x4] =	stream.indirect.gather [hbm4b:s1+s25], $0x80, s26, s25, $0xb8;
	[tilespmem:$0x1BF00] =	vst v63  }
0x90: {  	s19 =	simm.s32 @!p2 $0x0;
	s22 =	smov.u32 s18;
	s18 =	sadd.s32 @!p2 $0x40, s17  }
0x91: {  	[tilespmem:s19], [sflag:$0x1] =	stream.linear.gather @!p2 [hbm4b:s18+s19], $0x100, $0x38;
	[tilespmem:$0x1BF00] =	vst v63  }
0x92: {  	s20 =	simm.s32 @!p2 $0x100;
	s17 =	sadd.s32 @!p2 $0x5040, s17  }
0x93: {  	[tilespmem:s20], [sflag:$0x1] =	stream.linear.gather @!p2 [hbm4b:s17+s19], $0x100, $0x38;
	[tilespmem:$0x1BF00] =	vst v63  }
0x94: {  	_ =	swait.ge [sflag:s30], $0x4000  }
0x95: {  	[sflag:s30] =	ssyncset.done $0x0  }
0x96: {  	[sflag:s30] =	ssyncadd.s32 $0xFFFFC000  }
0x97: {  	[spmem:s2] =	stream.indirect.scatter.add.f32 [tilespmem:s31], [sflag:$0x5], $0x80, s29, s25, $0xb8;
	[tilespmem:$0x1BF00] =	vst v63  }
0x98: {  	_ =	swait.ge [sflag:s0], $0x4000  }
0x99: {  	[sflag:s0] =	ssyncset.done $0x0  }
0x9a: {  	[sflag:s0] =	ssyncadd.s32 $0xFFFFC000  }
0x9b: {  	[spmem:s2] =	stream.indirect.scatter.add.f32 [tilespmem:s28], [sflag:$0x6], $0x80, s16, s25, $0xb8;
	[tilespmem:$0x1BF00] =	vst v63  }
0x9c: {  	_ =	swait.ge [sflag:s24], $0x100  }
0x9d: {  	[sflag:s24] =	ssyncset.done $0x0  }
0x9e: {  	[sflag:s24] =	ssyncadd.s32 $0xFFFFFF00  }
0x9f: {  	_ =	swait.ge [sflag:s24], $0x100  }
0xa0: {  	[sflag:s24] =	ssyncset.done $0x0  }
0xa1: {  	[sflag:s24] =	ssyncadd.s32 $0xFFFFFF00  }
0xa2: {  	v1 =	vld [tilespmem:$0xC0]  }
0xa3: {  	v2 =	vld [tilespmem:$0xB0]  }
0xa4: {  	v4 =	vld [tilespmem:$0x60]  }
0xa5: {  	v6 =	vld [tilespmem:$0x40]  }
0xa6: {  	v5 =	vld [tilespmem:$0x50]  }
0xa7: {  	v8 =	vld [tilespmem:$0x20];
	v1 =	vshll.u32 v1, $0x1  }
0xa8: {  	v3 =	vld [tilespmem:$0xE0];
	v2 =	vshll.u32 v2, $0x1;
	v1 =	vor.u32 v0, v1  }
0xa9: {  	v7 =	vld [tilespmem:$0x30];
	v4 =	vshll.u32 v4, $0x1;
	v2 =	vor.u32 v0, v2;
	[tilespmem:$0x4C0] =	vst v1  }
0xaa: {  	v63 =	vld [tilespmem:$0x90];
	v6 =	vshll.u32 v6, $0x1;
	v4 =	vor.u32 v0, v4;
	[tilespmem:$0x4B0] =	vst v2  }
0xab: {  	v6 =	vor.u32 v0, v6;
	v1 =	vld [tilespmem:$0x10];
	v2 =	vshll.u32 v5, $0x1;
	[tilespmem:$0x460] =	vst v4  }
0xac: {  	v8 =	vshll.u32 v8, $0x1;
	v5 =	vld [tilespmem:$0x80];
	[tilespmem:$0x440] =	vst v6;
	v2 =	vor.u32 v0, v2  }
0xad: {  	v4 =	vld [tilespmem:$0x70];
	[tilespmem:$0x450] =	vst v2;
	v2 =	vshll.u32 v3, $0x1;
	v3 =	vor.u32 v0, v8  }
0xae: {  	v10 =	vld [tilespmem:$0x0];
	v7 =	vshll.u32 v7, $0x1;
	v2 =	vor.u32 v0, v2;
	[tilespmem:$0x420] =	vst v3  }
0xaf: {  	v6 =	vld [tilespmem:$0xD0];
	v3 =	vor.u32 v0, v7;
	[tilespmem:$0x4E0] =	vst v2;
	v2 =	vshll.u32 v63, $0x1  }
0xb0: {  	v8 =	vld [tilespmem:$0xA0];
	[tilespmem:$0x430] =	vst v3;
	v1 =	vshll.u32 v1, $0x1;
	v2 =	vor.u32 v0, v2  }
0xb1: {  	v7 =	vld [tilespmem:$0xF0];
	v5 =	vshll.u32 v5, $0x1;
	v1 =	vor.u32 v0, v1;
	[tilespmem:$0x490] =	vst v2  }
0xb2: {  	v4 =	vshll.u32 v4, $0x1;
	v5 =	vor.u32 v0, v5;
	[tilespmem:$0x410] =	vst v1  }
0xb3: {  	v1 =	vor.u32 v0, v4;
	v4 =	vshll.u32 v10, $0x1;
	[tilespmem:$0x480] =	vst v5  }
0xb4: {  	v3 =	vor.u32 v0, v4;
	[tilespmem:$0x470] =	vst v1;
	v1 =	vshll.u32 v6, $0x1  }
0xb5: {  	v4 =	vshll.u32 v8, $0x1;
	[tilespmem:$0x400] =	vst v3;
	v1 =	vor.u32 v0, v1  }
0xb6: {  	p2 =	seq.s32 s22, $0x0;
	v3 =	vshll.u32 v7, $0x1;
	v4 =	vor.u32 v0, v4;
	[tilespmem:$0x4D0] =	vst v1  }
0xb7: {  	s17 =	simm.s32 @p2 $0x80;
	v3 =	vor.u32 v0, v3;
	[tilespmem:$0x4A0] =	vst v4  }
0xb8: {  	s18 =	simm.s32 @p2 $0x400;
	s19 =	simm.s32 @p2 $0x500;
	s20 =	simm.s32 @!p2 $0x5;
	[tilespmem:$0x4F0] =	vst v3  }
0xb9: {  	[tilespmem:s19], [sflag:$0x3] =	stream.indirect.gather @p2 [hbm4b:s1+s17], $0x80, s18, s17, $0xb8;
	[tilespmem:$0x1BF00] =	vst v63  }
0xba: {  	_ =	swait.ge @!p2 [sflag:s20], $0x4000  }
0xbb: {  	s21 =	simm.s32 @!p2 $0x400;
	s17 =	simm.s32 @!p2 $0x500;
	[sflag:s20] =	ssyncset.done @!p2 $0x0  }
0xbc: {  	s18 =	simm.s32 @!p2 $0x6;
	s19 =	simm.s32 @!p2 $0x80;
	[sflag:s20] =	ssyncadd.s32 @!p2 $0xFFFFC000  }
0xbd: {  	[tilespmem:s17], [sflag:$0x3] =	stream.indirect.gather @!p2 [hbm4b:s1+s19], $0x80, s21, s19, $0xb8;
	[tilespmem:$0x1BF00] =	vst v63  }
0xbe: {  	s20 =	sadd.s32 s22, s8;
	s21 =	sand.u32 $0x40, s22;
	_ =	swait.ge @!p2 [sflag:s18], $0x4000  }
0xbf: {  	s17 =	sand.u32 $0xFF80, s20;
	s19 =	sadd.s32 s21, s5;
	[sflag:s18] =	ssyncset.done @!p2 $0x0  }
0xc0: {  	s17 =	sadd.s32 s17, s19;
	[sflag:s18] =	ssyncadd.s32 @!p2 $0xFFFFC000  }
0xc1: {  	[tilespmem:s28], [sflag:$0x4] =	stream.indirect.gather [hbm4b:s1+s25], $0x80, s26, s25, $0xb8;
	[tilespmem:$0x1BF00] =	vst v63  }
0xc2: {  	s20 =	sadd.s32 s22, s11;
	s19 =	rddreg [dreg:$0x4];
	s17 =	sadd.s32 $0x20, s17  }
0xc3: {  	[tilespmem:s19], [sflag:$0x2] =	stream.linear.gather [hbm4b:s17+s4], $0x100, $0x38;
	[tilespmem:$0x1BF00] =	vst v63  }
0xc4: {  	s21 =	sadd.s32 $0x5020, s20  }
0xc5: {  	[tilespmem:s29], [sflag:$0x2] =	stream.linear.gather [hbm4b:s21+s4], $0x100, $0x38;
	[tilespmem:$0x1BF00] =	vst v63  }
0xc6: {  	_ =	swait.ge [sflag:s30], $0x4000  }
0xc7: {  	[sflag:s30] =	ssyncset.done $0x0  }
0xc8: {  	[sflag:s30] =	ssyncadd.s32 $0xFFFFC000  }
0xc9: {  	[spmem:s2] =	stream.indirect.scatter.add.f32 [tilespmem:s31], [sflag:$0x5], $0x80, s10, s25, $0xb8;
	[tilespmem:$0x1BF00] =	vst v63  }
0xca: {  	_ =	swait.ge [sflag:s0], $0x4000  }
0xcb: {  	[sflag:s0] =	ssyncset.done $0x0  }
0xcc: {  	[sflag:s0] =	ssyncadd.s32 $0xFFFFC000  }
0xcd: {  	[spmem:s2] =	stream.indirect.scatter.add.f32 [tilespmem:s28], [sflag:$0x6], $0x80, s7, s25, $0xb8;
	[tilespmem:$0x1BF00] =	vst v63  }
0xce: {  	_ =	swait.ge [sflag:s12], $0x100  }
0xcf: {  	[sflag:s12] =	ssyncset.done $0x0  }
0xd0: {  	[sflag:s12] =	ssyncadd.s32 $0xFFFFFF00  }
0xd1: {  	_ =	swait.ge [sflag:s12], $0x100  }
0xd2: {  	[sflag:s12] =	ssyncset.done $0x0  }
0xd3: {  	[sflag:s12] =	ssyncadd.s32 $0xFFFFFF00  }
0xd4: {  	v2 =	vld [tilespmem:$0x200]  }
0xd5: {  	v3 =	vld [tilespmem:$0x210]  }
0xd6: {  	s13 =	sadd.s32 $0x40, s13;
	v4 =	vld [tilespmem:$0x230]  }
0xd7: {  	p1 =	sne.s32 s13, $0x500;
	v6 =	vld [tilespmem:$0x240]  }
.Ltmp1:
0xd8: {  	v1 =	vld [tilespmem:$0x220];
	(pc) =	sbr.rel @p1 .LBB2_4-.Ltmp1, $4  }
0xd9: {  	v5 =	vld [tilespmem:$0x250];
	v2 =	vshll.u32 v2, $0x1  }
0xda: {  	v7 =	vshll.u32 v3, $0x1;
	v3 =	vld [tilespmem:$0x260];
	v2 =	vor.u32 v0, v2  }
0xdb: {  	[tilespmem:$0x400] =	vst v2;
	v2 =	vor.u32 v0, v7;
	v7 =	vshll.u32 v4, $0x1;
	v4 =	vld [tilespmem:$0x270]  }
0xdc: {  	[tilespmem:$0x410] =	vst v2;
	v2 =	vor.u32 v0, v7;
	v7 =	vshll.u32 v6, $0x1;
	v6 =	vld [tilespmem:$0x280]  }
0xdd: {  	v8 =	vld [tilespmem:$0x290];
	v7 =	vor.u32 v0, v7;
	v1 =	vshll.u32 v1, $0x1;
	[tilespmem:$0x430] =	vst v2  }
0xde: {  	v9 =	vld [tilespmem:$0x2A0];
	v5 =	vshll.u32 v5, $0x1;
	[tilespmem:$0x440] =	vst v7;
	v1 =	vor.u32 v0, v1  }
0xdf: {  	v51 =	vld [tilespmem:$0x2B0];
	v5 =	vor.u32 v0, v5;
	v3 =	vshll.u32 v3, $0x1;
	[tilespmem:$0x420] =	vst v1  }
0xe0: {  	v52 =	vld [tilespmem:$0x2C0];
	[tilespmem:$0x450] =	vst v5;
	v3 =	vor.u32 v0, v3;
	v4 =	vshll.u32 v4, $0x1  }
0xe1: {  	v54 =	vld [tilespmem:$0x2D0];
	[tilespmem:$0x460] =	vst v3;
	v3 =	vor.u32 v0, v4;
	v53 =	vshll.u32 v6, $0x1  }
0xe2: {  	v56 =	vld [tilespmem:$0x2E0];
	[tilespmem:$0x470] =	vst v3;
	v3 =	vor.u32 v0, v53;
	v55 =	vshll.u32 v8, $0x1  }
0xe3: {  	v58 =	vld [tilespmem:$0x2F0];
	v57 =	vshll.u32 v9, $0x1;
	[tilespmem:$0x480] =	vst v3;
	v3 =	vor.u32 v0, v55  }
0xe4: {  	v59 =	vshll.u32 v51, $0x1;
	[tilespmem:$0x490] =	vst v3;
	v3 =	vor.u32 v0, v57  }
0xe5: {  	v60 =	vshll.u32 v52, $0x1;
	[tilespmem:$0x4A0] =	vst v3;
	v3 =	vor.u32 v0, v59  }
0xe6: {  	v61 =	vshll.u32 v54, $0x1;
	[tilespmem:$0x4B0] =	vst v3;
	v3 =	vor.u32 v0, v60  }
0xe7: {  	v62 =	vshll.u32 v56, $0x1;
	[tilespmem:$0x4C0] =	vst v3;
	v3 =	vor.u32 v0, v61  }
0xe8: {  	v63 =	vshll.u32 v58, $0x1;
	[tilespmem:$0x4D0] =	vst v3;
	v3 =	vor.u32 v0, v62  }
0xe9: {  	[tilespmem:$0x4E0] =	vst v3;
	v3 =	vor.u32 v0, v63  }
0xea: {  	[tilespmem:$0x4F0] =	vst v3  }
0xeb: {  	_ =	swait.ge [sflag:s14], $0x4000  }
0xec: {  	[sflag:s14] =	ssyncset.done $0x0  }
0xed: {  	s13 =	rddreg [dreg:$0x5];
	[sflag:s14] =	ssyncadd.s32 $0xFFFFC000  }
0xee: {  	[tilespmem:s31], [sflag:$0x3] =	stream.indirect.gather [hbm4b:s1+s25], $0x80, s13, s25, $0xb8;
	[tilespmem:$0x1BF00] =	vst v63  }
0xef: {  	_ =	swait.ge [sflag:s15], $0x4000  }
0xf0: {  	p1 =	seq.s32 s22, $0x4C0;
	[sflag:s15] =	ssyncset.done $0x0  }
0xf1: {  	s13 =	sadd.s32 @!p1 s22, s11;
	[sflag:s15] =	ssyncadd.s32 $0xFFFFC000  }
0xf2: {  	[tilespmem:s28], [sflag:$0x4] =	stream.indirect.gather [hbm4b:s1+s25], $0x80, s26, s25, $0xb8;
	[tilespmem:$0x1BF00] =	vst v63  }
0xf3: {  	s17 =	simm.s32 @!p1 $0x0;
	s18 =	sadd.s32 @!p1 $0x40, s13  }
0xf4: {  	[tilespmem:s17], [sflag:$0x1] =	stream.linear.gather @!p1 [hbm4b:s18+s17], $0x100, $0x38;
	[tilespmem:$0x1BF00] =	vst v63  }
0xf5: {  	s13 =	sadd.s32 @!p1 $0x5040, s13;
	s18 =	simm.s32 @!p1 $0x100  }
0xf6: {  	[tilespmem:s18], [sflag:$0x1] =	stream.linear.gather @!p1 [hbm4b:s13+s17], $0x100, $0x38;
	[tilespmem:$0x1BF00] =	vst v63  }
0xf7: {  	_ =	swait.ge [sflag:s30], $0x4000  }
0xf8: {  	[sflag:s30] =	ssyncset.done $0x0  }
0xf9: {  	[sflag:s30] =	ssyncadd.s32 $0xFFFFC000  }
0xfa: {  	[spmem:s2] =	stream.indirect.scatter.add.f32 [tilespmem:s31], [sflag:$0x5], $0x80, s29, s25, $0xb8;
	[tilespmem:$0x1BF00] =	vst v63  }
0xfb: {  	_ =	swait.ge [sflag:s0], $0x4000  }
0xfc: {  	[sflag:s0] =	ssyncset.done $0x0  }
0xfd: {  	[sflag:s0] =	ssyncadd.s32 $0xFFFFC000  }
0xfe: {  	[spmem:s2] =	stream.indirect.scatter.add.f32 [tilespmem:s28], [sflag:$0x6], $0x80, s16, s25, $0xb8;
	[tilespmem:$0x1BF00] =	vst v63  }
0xff: {  	_ =	swait.ge [sflag:s14], $0x4000  }
0x100: {  	[sflag:s14] =	ssyncset.done $0x0  }
0x101: {  	[sflag:s14] =	ssyncadd.s32 $0xFFFFC000  }
0x102: {  	_ =	swait.ge [sflag:s15], $0x4000  }
0x103: {  	s22 =	sadd.s32 $0x0, s3;
	[sflag:s15] =	ssyncset.done $0x0  }
0x104: {  	p1 =	sgt.u32 s22, $0xF9;
	s18 =	smov.u32 s23;
	[sflag:s15] =	ssyncadd.s32 $0xFFFFC000  }
0x105: {  	s13 =	simm.s32 @!p1 $0x7;
	p2 =	por !p0, p1;
	[bflag:$0x0] =	sbarrier.arrive $0xFFFF  }
0x106: {  	s17 =	sshll.u32 @!p1 s3, $0x6;
	s13 =	simm.s32 @p2 $0x8;
	s22 =	rddreg [dreg:$0xf]  }
0x107: {  	s18 =	smov.u32 @p2 s9;
	s17 =	sadd.s32 @!p1 s13, s17;
	s20 =	rddreg [dreg:$0x8]  }
0x108: {  	s17 =	sadd.s32 @!p1 $0x1C00, s17;
	s19 =	sshrl.u32 @!p1 s22, $0x3;
	s18 =	sadd.s32 @!p1 s20, s18  }
0x109: {  	[hbm:s18], [sflag:s17] =	dma.local @!p1 [spmem:s19], $0x280  }
0x10a: {  	s18 =	simm.s32 $0x10  }
.LBB2_6:
0x10b: {  	s17 =	sadd.s32 s18, s3  }
0x10c: {  	s19 =	smov.u32 s13;
	p2 =	por p1, p1;
	s22 =	sadd.s32 $0x14000, s22  }
0x10d: {  	s20 =	sadd.s32 $0x2800, s20;
	s10 =	smov.u32 s23;
	p1 =	sgt.u32 s17, $0xF9  }
0x10e: {  	s18 =	sadd.s32 $0x10, s18;
	s17 =	sshll.u32 @!p1 s3, $0x6;
	s21 =	sshrl.u32 @!p1 s22, $0x3  }
0x10f: {  	s13 =	simm.s32 @!p1 $0x7;
	p3 =	por !p0, p1;
	_ =	swait.ge @!p2 [sflag:s19], $0x280  }
0x110: {  	s10 =	smov.u32 @p3 s9;
	s13 =	simm.s32 @p3 $0x8;
	[sflag:s19] =	ssyncset.done @!p2 $0x0  }
0x111: {  	[sflag:s19] =	ssyncadd.s32 @!p2 $0xFFFFFD80;
	p2 =	sne.s32 s18, $0x100  }
.Ltmp2:
0x112: {  	_ = 	snop;
	(pc) =	sbr.rel @p2 .LBB2_6-.Ltmp2, $4  }
0x113: {  	_ = 	snop  }
0x114: {  	s17 =	sadd.s32 @!p1 s13, s17  }
0x115: {  	s10 =	sadd.s32 @!p1 s20, s10;
	s17 =	sadd.s32 @!p1 $0x1C00, s17  }
0x116: {  	[hbm:s10], [sflag:s17] =	dma.local @!p1 [spmem:s21], $0x280  }
0x117: {  	p1 =	por p1, p1  }
0x118: {  	_ =	swait.ge @!p1 [sflag:s13], $0x280  }
0x119: {  	[sflag:s13] =	ssyncset.done @!p1 $0x0  }
0x11a: {  	s10 =	sadd.s32 $0x0, s3;
	[sflag:s13] =	ssyncadd.s32 @!p1 $0xFFFFFD80  }
0x11b: {  	p1 =	sgt.u32 s10, $0x4E7;
	[bflag:$0x0] =	sbarrier.arrive $0xFFFF  }
0x11c: {  	s10 =	sshll.u32 @!p1 s3, $0x6;
	s21 =	rddreg [dreg:$0xd]  }
0x11d: {  	s20 =	simm.s32 @!p1 $0x7;
	s10 =	sor.u32 @!p1 $0x1C07, s10;
	s13 =	sshrl.u32 @!p1 s21, $0x3  }
0x11e: {  	[spmem:s13], [sflag:s10] =	dma.local @!p1 [hbm:s6], $0x80  }
0x11f: {  	s18 =	simm.s32 $0x20;
	_ =	swait.ge @!p1 [sflag:s20], $0x80  }
0x120: {  	s22 =	sadd.s32 $0x10, s3;
	s13 =	sadd.s32 $0x4000, s21;
	[sflag:s20] =	ssyncset.done @!p1 $0x0  }
.LBB2_8:
0x121: {  	s10 =	smov.u32 s18;
	s18 =	sadd.s32 $0x10, s18  }
0x122: {  	[sflag:s20] =	ssyncadd.s32 @!p1 $0xFFFFFF80;
	p1 =	sgt.u32 s22, $0x4E7;
	p2 =	sne.s32 s18, $0x4F0  }
.Ltmp3:
0x123: {  	s17 =	sshll.u32 @!p1 s3, $0x6;
	s19 =	sshrl.u32 @!p1 s13, $0x3;
	(pc) =	sbr.rel @p2 .LBB2_8-.Ltmp3, $4  }
0x124: {  	s20 =	simm.s32 @!p1 $0x7;
	s17 =	sor.u32 @!p1 $0x1C07, s17  }
0x125: {  	[spmem:s19], [sflag:s17] =	dma.local @!p1 [hbm:s6], $0x80  }
0x126: {  	_ =	swait.ge @!p1 [sflag:s20], $0x80  }
0x127: {  	s22 =	sadd.s32 s10, s3;
	s13 =	sadd.s32 $0x4000, s13;
	[sflag:s20] =	ssyncset.done @!p1 $0x0  }
0x128: {  	p2 =	sgt.u32 s22, $0x4E7  }
0x129: {  	[sflag:s20] =	ssyncadd.s32 @!p1 $0xFFFFFF80;
	s10 =	sshll.u32 @!p2 s3, $0x6  }
0x12a: {  	s13 =	sshrl.u32 @!p2 s13, $0x3;
	s17 =	simm.s32 @!p2 $0x7;
	s10 =	sor.u32 @!p2 $0x1C07, s10  }
0x12b: {  	[spmem:s13], [sflag:s10] =	dma.local @!p2 [hbm:s6], $0x80  }
0x12c: {  	_ =	swait.ge @!p2 [sflag:s17], $0x80  }
0x12d: {  	s13 =	simm.s32 $0x0;
	[sflag:s17] =	ssyncset.done @!p2 $0x0  }
0x12e: {  	s22 =	rddreg [dreg:$0x6];
	[sflag:s17] =	ssyncadd.s32 @!p2 $0xFFFFFF80;
	s17 =	simm.s32 $0x7  }
0x12f: {  	[tilespmem:s31], [sflag:$0x7] =	stream.linear.gather [hbm4b:s22+s13], $0x4000, $0x38;
	[tilespmem:$0x1BF00] =	vst v63  }
0x130: {  	_ =	swait.ge [sflag:s17], $0x4000  }
0x131: {  	[sflag:s17] =	ssyncset.done $0x0  }
0x132: {  	[sflag:s17] =	ssyncadd.s32 $0xFFFFC000  }
0x133: {  	[bflag:$0x0] =	sbarrier.arrive $0xFFFF  }
0x134: {  	s22 =	simm.s32 $0x100;
	s18 =	rddreg [dreg:$0x9]  }
0x135: {  	[tilespmem:s22], [sflag:$0x1] =	stream.linear.gather [hbm4b:s18+s13], $0x100, $0x38;
	[tilespmem:$0x1BF00] =	vst v63  }
0x136: {  	_ =	swait.ge [sflag:s24], $0x100  }
0x137: {  	[sflag:s24] =	ssyncset.done $0x0  }
0x138: {  	[sflag:s24] =	ssyncadd.s32 $0xFFFFFF00  }
0x139: {  	[spmem:s2] =	stream.indirect.scatter.add.f32 [tilespmem:s31], [sflag:$0x5], $0x80, s22, s25, $0xb8;
	[tilespmem:$0x1BF00] =	vst v63  }
0x13a: {  	_ = 	snop  }
0x13b: {  	[spmem:s2] =	stream.indirect.scatter.add.f32 [tilespmem:s31], [sflag:$0x6], $0x80, s7, s25, $0xb8;
	[tilespmem:$0x1BF00] =	vst v63  }
0x13c: {  	s19 =	rddreg [dreg:$0xb]  }
0x13d: {  	[tilespmem:s29], [sflag:$0x2] =	stream.linear.gather [hbm4b:s19+s13], $0x100, $0x38;
	[tilespmem:$0x1BF00] =	vst v63  }
0x13e: {  	_ =	swait.ge [sflag:s12], $0x100  }
0x13f: {  	[sflag:s12] =	ssyncset.done $0x0  }
0x140: {  	[sflag:s12] =	ssyncadd.s32 $0xFFFFFF00  }
0x141: {  	_ =	swait.ge [sflag:s14], $0x4000  }
0x142: {  	[sflag:s14] =	ssyncset.done $0x0  }
0x143: {  	[sflag:s14] =	ssyncadd.s32 $0xFFFFC000  }
0x144: {  	_ =	swait.ge [sflag:s15], $0x4000  }
0x145: {  	[sflag:s15] =	ssyncset.done $0x0  }
0x146: {  	[sflag:s15] =	ssyncadd.s32 $0xFFFFC000  }
0x147: {  	[spmem:s2] =	stream.indirect.scatter.add.f32 [tilespmem:s31], [sflag:$0x5], $0x80, s29, s25, $0xb8;
	[tilespmem:$0x1BF00] =	vst v63  }
0x148: {  	s20 =	rddreg [dreg:$0xc]  }
0x149: {  	[spmem:s2] =	stream.indirect.scatter.add.f32 [tilespmem:s31], [sflag:$0x6], $0x80, s16, s25, $0xb8;
	[tilespmem:$0x1BF00] =	vst v63  }
0x14a: {  	s19 =	rddreg [dreg:$0xe]  }
0x14b: {  	[tilespmem:s22], [sflag:$0x1] =	stream.linear.gather [hbm4b:s20+s13], $0x100, $0x38;
	[tilespmem:$0x1BF00] =	vst v63  }
0x14c: {  	s20 =	rddreg [dreg:$0x10]  }
.LBB2_10:
0x14d: {  	_ =	swait.ge [sflag:s24], $0x100  }
0x14e: {  	[sflag:s24] =	ssyncset.done $0x0  }
0x14f: {  	[sflag:s24] =	ssyncadd.s32 $0xFFFFFF00  }
0x150: {  	_ =	swait.ge [sflag:s14], $0x4000  }
0x151: {  	[sflag:s14] =	ssyncset.done $0x0  }
0x152: {  	[sflag:s14] =	ssyncadd.s32 $0xFFFFC000  }
0x153: {  	s10 =	sadd.s32 s13, s19;
	s17 =	sxor.u32 $0xFFFFFFFF, s13;
	_ =	swait.ge [sflag:s15], $0x4000  }
0x154: {  	s10 =	sadd.s32 $0x5040, s10;
	s17 =	sand.u32 $0x40, s17;
	[sflag:s15] =	ssyncset.done $0x0  }
0x155: {  	s10 =	sand.u32 $0xFFFFF80, s10;
	s17 =	sadd.s32 s17, s5;
	[sflag:s15] =	ssyncadd.s32 $0xFFFFC000  }
0x156: {  	[spmem:s2] =	stream.indirect.scatter.add.f32 [tilespmem:s31], [sflag:$0x5], $0x80, s22, s25, $0xb8;
	[tilespmem:$0x1BF00] =	vst v63  }
0x157: {  	s10 =	sadd.s32 s10, s17  }
0x158: {  	[spmem:s2] =	stream.indirect.scatter.add.f32 [tilespmem:s31], [sflag:$0x6], $0x80, s7, s25, $0xb8;
	[tilespmem:$0x1BF00] =	vst v63  }
0x159: {  	s10 =	sadd.s32 $0x20, s10  }
0x15a: {  	[tilespmem:s29], [sflag:$0x2] =	stream.linear.gather [hbm4b:s10+s4], $0x100, $0x38;
	[tilespmem:$0x1BF00] =	vst v63  }
0x15b: {  	_ =	swait.ge [sflag:s12], $0x100  }
0x15c: {  	[sflag:s12] =	ssyncset.done $0x0  }
0x15d: {  	[sflag:s12] =	ssyncadd.s32 $0xFFFFFF00  }
0x15e: {  	_ =	swait.ge [sflag:s14], $0x4000  }
0x15f: {  	[sflag:s14] =	ssyncset.done $0x0  }
0x160: {  	[sflag:s14] =	ssyncadd.s32 $0xFFFFC000  }
0x161: {  	_ =	swait.ge [sflag:s15], $0x4000  }
0x162: {  	[sflag:s15] =	ssyncset.done $0x0  }
0x163: {  	p1 =	seq.s32 s13, $0x200;
	[sflag:s15] =	ssyncadd.s32 $0xFFFFC000  }
0x164: {  	[spmem:s2] =	stream.indirect.scatter.add.f32 [tilespmem:s31], [sflag:$0x5], $0x80, s29, s25, $0xb8;
	[tilespmem:$0x1BF00] =	vst v63  }
0x165: {  	s10 =	sadd.s32 @!p1 s13, s20;
	s13 =	sadd.s32 @!p1 $0x40, s13  }
0x166: {  	[spmem:s2] =	stream.indirect.scatter.add.f32 [tilespmem:s31], [sflag:$0x6], $0x80, s16, s25, $0xb8;
	[tilespmem:$0x1BF00] =	vst v63  }
0x167: {  	s18 =	simm.s32 @!p1 $0x100;
	s17 =	simm.s32 @!p1 $0x0;
	p2 =	sne.s32 @!p1 s13, $0x240  }
0x168: {  	[tilespmem:s18], [sflag:$0x1] =	stream.linear.gather @!p1 [hbm4b:s10+s17], $0x100, $0x38;
	[tilespmem:$0x1BF00] =	vst v63  }
0x169: {  	p1 =	por p1, !p2  }
.Ltmp4:
0x16a: {  	_ = 	snop;
	(pc) =	sbr.rel @!p1 .LBB2_10-.Ltmp4, $1  }
0x16b: {  	_ =	sdelay $0x3  }
0x16c: {  	_ =	swait.ge [sflag:s14], $0x4000  }
0x16d: {  	[sflag:s14] =	ssyncset.done $0x0  }
0x16e: {  	[sflag:s14] =	ssyncadd.s32 $0xFFFFC000  }
0x16f: {  	_ =	swait.ge [sflag:s15], $0x4000  }
0x170: {  	[sflag:s15] =	ssyncset.done $0x0  }
0x171: {  	s10 =	sadd.s32 $0x0, s3;
	[sflag:s15] =	ssyncadd.s32 $0xFFFFC000  }
0x172: {  	p1 =	sgt.u32 s10, $0xF9;
	[bflag:$0x0] =	sbarrier.arrive $0xFFFF  }
0x173: {  	s10 =	sshll.u32 @!p1 s3, $0x6;
	s22 =	simm.s32 @!p1 $0x7;
	s17 =	rddreg [dreg:$0xf]  }
0x174: {  	s10 =	sor.u32 @!p1 $0x1C07, s10;
	s18 =	rddreg [dreg:$0x11];
	s13 =	sshrl.u32 @!p1 s17, $0x3  }
0x175: {  	[hbm:s18], [sflag:s10] =	dma.local @!p1 [spmem:s13], $0x280  }
0x176: {  	s20 =	simm.s32 $0x20;
	s13 =	sadd.s32 $0x14000, s17;
	_ =	swait.ge @!p1 [sflag:s22], $0x280  }
0x177: {  	s17 =	sadd.s32 $0x10, s3;
	s18 =	sadd.s32 $0x2800, s18;
	[sflag:s22] =	ssyncset.done @!p1 $0x0  }
.LBB2_12:
0x178: {  	s10 =	smov.u32 s20;
	s20 =	sadd.s32 $0x10, s20  }
0x179: {  	[sflag:s22] =	ssyncadd.s32 @!p1 $0xFFFFFD80;
	p1 =	sgt.u32 s17, $0xF9;
	p2 =	sne.s32 s20, $0x100  }
.Ltmp5:
0x17a: {  	s17 =	sshll.u32 @!p1 s3, $0x6;
	s19 =	sshrl.u32 @!p1 s13, $0x3;
	(pc) =	sbr.rel @p2 .LBB2_12-.Ltmp5, $4  }
0x17b: {  	s22 =	simm.s32 @!p1 $0x7;
	s17 =	sor.u32 @!p1 $0x1C07, s17  }
0x17c: {  	[hbm:s18], [sflag:s17] =	dma.local @!p1 [spmem:s19], $0x280  }
0x17d: {  	s13 =	sadd.s32 $0x14000, s13;
	_ =	swait.ge @!p1 [sflag:s22], $0x280  }
0x17e: {  	s17 =	sadd.s32 s10, s3;
	s18 =	sadd.s32 $0x2800, s18;
	[sflag:s22] =	ssyncset.done @!p1 $0x0  }
0x17f: {  	p2 =	sgt.u32 s17, $0xF9  }
0x180: {  	[sflag:s22] =	ssyncadd.s32 @!p1 $0xFFFFFD80;
	s10 =	sshll.u32 @!p2 s3, $0x6  }
0x181: {  	s13 =	sshrl.u32 @!p2 s13, $0x3;
	s17 =	simm.s32 @!p2 $0x7;
	s10 =	sor.u32 @!p2 $0x1C07, s10  }
0x182: {  	[hbm:s18], [sflag:s10] =	dma.local @!p2 [spmem:s13], $0x280  }
0x183: {  	_ =	swait.ge @!p2 [sflag:s17], $0x280  }
0x184: {  	s20 =	rddreg [dreg:$0x12]  }
0x185: {  	s22 =	rddreg [dreg:$0xa];
	s13 =	sadd.s32 $0x1, s20  }
0x186: {  	p1 =	sne.s32 s13, s22  }
.Ltmp6:
0x187: {  	_ = 	snop;
	(pc) =	sbr.rel @p1 .LBB2_1-.Ltmp6, $3  }
0x188: {  	_ =	sdelay $0x1  }
0x189: {  	[sflag:s17] =	ssyncset.done @!p2 $0x0  }
0x18a: {  	[sflag:s17] =	ssyncadd.s32 @!p2 $0xFFFFFD80  }
0x18b: {  	_ =	sfence.sel $0x180000  }
0x18c: {  	[bflag:$0x0] =	sbarrier.arrive $0xFFFF  }
0x18d: {  	_ =	strace $0x90000047  }
0x18e: {  	[bflag:$0x2] =	sbarrier.arrive $0xFFFF  }
0x18f: {  	p0 =	sne.s32 s3, $0x0;
	s0 =	rddreg [dreg:$0x3]  }
0x190: {  	s0 =	sadd.s32 @!p0 $0x100000, s0  }
0x191: {  	[sflag:s0] =	ssyncadd.tile.s32 @!p0 $0x1;
	_ =	shalt  }
.Lfunc_end2:
_tile_overlayer_lowered:
.L_overlay_start_2:
0x192: {  	(tag) =	ssettag $0x2  }
0x193: {  	s0 =	rddreg [dreg:$0x0];
	s2 =	stileid.u32  }
0x194: {  	s1 =	rddreg [dreg:$0x1];
	p0 =	sne.s32 s2, $0x0  }
0x195: {  	s3 =	rddreg [dreg:$0x2];
	[bflag:$0x3] =	sbarrier.arrive $0xFFFF;
	s2 =	simm.s32 @!p0 $0x1C07  }
0x196: {  	[timem:s3], [sflag:s2] =	dma.local @!p0 [hbm:s0], s1  }
0x197: {  	s0 =	simm.s32 @!p0 $0x7  }
0x198: {  	_ =	swait.ge @!p0 [sflag:s0], s1  }
0x199: {  	s1 =	ssub.s32 @!p0 $0x0, s1;
	[sflag:s0] =	ssyncset.done @!p0 $0x0  }
0x19a: {  	[sflag:s0] =	ssyncadd.s32 @!p0 s1  }
0x19b: {  	[bflag:$0x3] =	sbarrier.arrive $0xFFFF  }
0x19c: {  	_ =	shalt  }

</sc_bundles>
